<compile_context>
chip_gen: v7x
topology: tpu7x:2x2x1
jax: 0.10.2.dev20260603
libtpu: 0.0.44.dev20260713+nightly
codegen_flags: <defaults>
</compile_context>

<pallas_src>
import functools

import numpy as np
import jax
import jax.numpy as jnp
from jax import lax
from jax.experimental import pallas as pl
from jax.experimental.pallas import tpu as pltpu
from jax.experimental.pallas import tpu_sc as plsc

_FEATURE_DIMS = (4000,) * 26
_FDIM = 4000
_F = 26
_FP = 32
_V = sum(_FEATURE_DIMS) + 1
_D = 16
_B = 4096
_SLOTS = 32
_QB = _SLOTS * _D // 128
_LIN_SLOT = _F
_BIAS_SLOT = _F + 1

_NC, _NS = 2, 16
_NW = _NC * _NS
_BPW = _B // _NW
_CB = 2
_BPB = _FP * _QB
_GRP = (_CB * _BPB) // 128
_CPG = _D // _CB

_mesh = plsc.VectorSubcoreMesh(core_axis_name="c", subcore_axis_name="s")


def _lane_sum(v):
    for sh in (8, 4, 2, 1):
        perm = lax.iota(jnp.int32, _D) ^ sh
        v = v + v.at[perm].get(mode="promise_in_bounds")
    return v


@functools.partial(
    pl.kernel,
    mesh=_mesh,
    compiler_params=pltpu.CompilerParams(use_tc_tiling_on_sc=True),
    out_type=jax.ShapeDtypeStruct((_B,), jnp.float32),
    scratch_types=[
        pltpu.VMEM((_CB * _FP,), jnp.int32),
        pltpu.VMEM((_CB * _BPB,), jnp.int32),
        pltpu.VMEM((_CB * _BPB, 128), jnp.float32),
        pltpu.VMEM((_BPW,), jnp.float32),
        pltpu.SemaphoreType.DMA,
    ],
)
def _ffm_sc(x_hbm, tab, out_hbm, xbuf, idx_v, rows_v, out_v, sem):
    cid = lax.axis_index("c")
    sid = lax.axis_index("s")
    wid = sid * _NC + cid
    b0 = wid * _BPW

    lanes = lax.iota(jnp.int32, _D)
    off_lo = _FDIM * lanes
    off_hi = jnp.where(lanes < _F - _D, _FDIM * (lanes + _D),
                       _FDIM * (lanes - (_F - _D)))

    def group(g, carry):
        def chunk(u, res):
            c = g * _CPG + u
            pltpu.sync_copy(
                x_hbm.at[pl.ds(
                    pl.multiple_of((b0 + c * _CB) * _FP, _CB * _FP),
                    _CB * _FP)],
                xbuf)
            for bl in range(_CB):
                adj_lo = (xbuf[pl.ds(bl * _FP, _D)] + off_lo) * _QB
                adj_hi = (xbuf[pl.ds(bl * _FP + _D, _D)] + off_hi) * _QB
                for q in range(_QB):
                    idx_v[pl.ds(bl * _BPB + q * _FP, _D)] = adj_lo + q
                    idx_v[pl.ds(bl * _BPB + q * _FP + _D, _D)] = adj_hi + q
            copies = [
                pltpu.async_copy(tab.at[idx_v.at[pl.ds(k * 128, 128)]],
                                 rows_v.at[pl.ds(k * 128, 128)], sem)
                for k in range(_GRP)
            ]
            for cp in copies:
                cp.wait()

            for bl in range(_CB):
                gb = bl * _BPB

                zero = jnp.zeros((_D,), jnp.float32)

                def outer(i, carry):
                    a0, a1, a2, a3, dg = carry
                    blk_a = gb + (i >> 3) * _FP
                    sub_a = pl.multiple_of((i & 7) * _D, _D)
                    accs = [a0, a1, a2, a3]
                    for jq in range(_QB):
                        blk_b = gb + jq * _FP + i
                        for j8 in range(8):
                            j = 8 * jq + j8
                            if j >= _F:
                                break
                            a = rows_v[blk_a + j, pl.ds(sub_a, _D)]
                            b = rows_v[blk_b, pl.ds(j8 * _D, _D)]
                            accs[j % 4] = accs[j % 4] + a * b
                    dv = rows_v[blk_a + i, pl.ds(sub_a, _D)]
                    return (accs[0], accs[1], accs[2], accs[3],
                            dg + dv * dv)

                a0, a1, a2, a3, dg = lax.fori_loop(
                    0, _F, outer, (zero, zero, zero, zero, zero))
                acc = ((a0 + a1) + (a2 + a3) - dg) * 0.5

                def lin(f, acc):
                    return acc + rows_v[gb + 3 * _FP + f,
                                        pl.ds((_LIN_SLOT % 8) * _D, _D)]

                acc = lax.fori_loop(0, _F, lin, acc)
                acc = acc + rows_v[gb + 3 * _FP,
                                   pl.ds((_BIAS_SLOT % 8) * _D, _D)]
                zvec = _lane_sum(acc)
                res = jnp.where(lanes == u * _CB + bl, zvec, res)
            return res

        res = lax.fori_loop(0, _CPG, chunk, jnp.zeros((_D,), jnp.float32))
        out_v[pl.ds(pl.multiple_of(g * _D, _D), _D)] = (
            1.0 / (1.0 + jnp.exp(-res)))
        return carry

    lax.fori_loop(0, _BPW // _D, group, 0)
    pltpu.sync_copy(out_v, out_hbm.at[pl.ds(b0, _BPW)])


def kernel(x, tables, lin_w, lin_b):
    xi = x.astype(jnp.int32)
    x32 = jnp.concatenate([xi, xi[:, :_FP - _F]], axis=1)
    tp = jnp.transpose(tables, (1, 0, 2)).reshape(_V, _F * _D)
    lin_col = jnp.pad(lin_w, ((0, 0), (0, _D - 1)))
    bias_col = jnp.pad(
        jnp.broadcast_to(lin_b.reshape(1, 1), (_V, 1)),
        ((0, 0), (0, _D - 1)))
    zpad = jnp.zeros((_V, (_SLOTS - _F - 2) * _D), jnp.float32)
    t2 = jnp.concatenate([tp, lin_col, bias_col, zpad], axis=1)
    t2 = t2.reshape(_V * _QB, 128)
    return _ffm_sc(x32.reshape(-1), t2)

# --- scband reference (transcript-rebuilt; emitter-appended) ---
"""Pipeline reference for scband-field-aware-factorization-machine-53437983097346 (READ-ONLY COPY).

The authoritative reference and input builder live on the scoring server;
editing this copy changes nothing except your own understanding.
"""

import jax, jax.numpy as jnp
import numpy as np

FEATURE_DIMS = [4000] * 26
NUM_FIELDS = len(FEATURE_DIMS)
VOCAB = sum(FEATURE_DIMS) + 1
EMBED_DIM = 16
BATCH = 4096
OFFSETS = jnp.array(np.array((0, *np.cumsum(FEATURE_DIMS)[:-1])), dtype=jnp.int64)


def setup_inputs(seed: int = 0) -> dict:
    key = jax.random.key(seed)
    k_x, k_t, k_lw, k_lb = jax.random.split(key, 4)
    x = jax.random.randint(k_x, (BATCH, NUM_FIELDS), 0, 4000, dtype=jnp.int64)
    # xavier_uniform per embedding table: bound = sqrt(6 / (fan_in + fan_out))
    bound = float(np.sqrt(6.0 / (VOCAB + EMBED_DIM)))
    tables = jax.random.uniform(k_t, (NUM_FIELDS, VOCAB, EMBED_DIM), dtype=jnp.float32, minval=-bound, maxval=bound)
    # LinearLayer: per-feature scalar weight embedding + bias
    lin_w = jax.random.normal(k_lw, (VOCAB, 1), dtype=jnp.float32) * 0.01
    lin_b = jnp.zeros((1,), dtype=jnp.float32)
    return {"x": x, "tables": tables, "lin_w": lin_w, "lin_b": lin_b}


def reference(x, tables, lin_w, lin_b):
    adjusted_x = x + OFFSETS[None, :]  # [B, F]
    # field-aware embeddings: one full-vocab gather per field table
    embedded_x = [tables[i][adjusted_x] for i in range(NUM_FIELDS)]  # each [B, F, D]
    cross_results = []
    for i in range(NUM_FIELDS - 1):
        for j in range(i + 1, NUM_FIELDS):
            cross_results.append(embedded_x[j][:, i, :] * embedded_x[i][:, j, :])
    ffm = jnp.stack(cross_results, axis=1)  # [B, F*(F-1)/2, D]
    ffm_part = jnp.sum(jnp.sum(ffm, axis=1), axis=1, keepdims=True)  # [B, 1]
    linear_part = jnp.sum(lin_w[adjusted_x], axis=1) + lin_b  # [B, 1]
    ffm_full = linear_part + ffm_part
    return jax.nn.sigmoid(jnp.squeeze(ffm_full, axis=1))

if __name__ == "__main__":
    import jax
    _d = setup_inputs()
    print(jax.jit(kernel)(*tuple(_d.values())))

</pallas_src>

<mosaic_0001>
#map = affine_map<(d0, d1) -> (0)>
#map1 = affine_map<(d0, d1) -> (0, 0)>
module attributes {stable_mosaic.version = 14 : i64} {
  func.func @_ffm_sc(%arg0: i32, %arg1: i32, %arg2: memref<131072xi32, #tpu.memory_space<hbm>>, %arg3: memref<416004x128xf32, #tpu.memory_space<hbm>>, %arg4: memref<4096xf32, #tpu.memory_space<hbm>>, %arg5: memref<64xi32, #tpu.memory_space<vmem>>, %arg6: memref<256xi32, #tpu.memory_space<vmem>>, %arg7: memref<256x128xf32, #tpu.memory_space<vmem>>, %arg8: memref<128xf32, #tpu.memory_space<vmem>>, %arg9: memref<!tpu.dma_semaphore, #tpu.memory_space<semaphore_mem>>) attributes {dimension_semantics = [#tpu.dimension_semantics<core_parallel>, #tpu.dimension_semantics<subcore_parallel>], iteration_bounds = array<i64: 2, 16>, scalar_prefetch = 0 : i64, scratch_operands = 5 : i64, tpu.core_type = #tpu.core_type<sc_vector_subcore>, window_params = [{transform_indices = #map}, {transform_indices = #map1}, {transform_indices = #map}]} {
    %mul3A = arith.constant 2 : i32
    %mul3A_0 = arith.muli %arg1, %mul3A : i32
    %add3A = arith.addi %mul3A_0, %arg0 : i32
    %mul3A_1 = arith.constant 128 : i32
    %mul3A_2 = arith.muli %add3A, %mul3A_1 : i32
    %iota3A = tpu.iota {dimensions = array<i32: 0>} : vector<16xi32>
    %mul3A_3 = arith.constant 4000 : i32
    %mul3A_4 = vector.broadcast %mul3A_3 : i32 to vector<16xi32>
    %mul3A_5 = arith.muli %mul3A_4, %iota3A : vector<16xi32>
    %lt3A = arith.constant 10 : i32
    %lt3A_6 = vector.broadcast %lt3A : i32 to vector<16xi32>
    %lt3A_7 = arith.cmpi slt, %iota3A, %lt3A_6 : vector<16xi32>
    %add3A_8 = arith.constant 16 : i32
    %add3A_9 = vector.broadcast %add3A_8 : i32 to vector<16xi32>
    %add3A_10 = arith.addi %iota3A, %add3A_9 : vector<16xi32>
    %mul3A_11 = arith.constant 4000 : i32
    %mul3A_12 = vector.broadcast %mul3A_11 : i32 to vector<16xi32>
    %mul3A_13 = arith.muli %mul3A_12, %add3A_10 : vector<16xi32>
    %sub3A = arith.constant 10 : i32
    %sub3A_14 = vector.broadcast %sub3A : i32 to vector<16xi32>
    %sub3A_15 = arith.subi %iota3A, %sub3A_14 : vector<16xi32>
    %mul3A_16 = arith.constant 4000 : i32
    %mul3A_17 = vector.broadcast %mul3A_16 : i32 to vector<16xi32>
    %mul3A_18 = arith.muli %mul3A_17, %sub3A_15 : vector<16xi32>
    %select_n3A = arith.select %lt3A_7, %mul3A_13, %mul3A_18 : vector<16xi1>, vector<16xi32>
    %scan3A = arith.constant 0 : i32
    %scan3A_19 = arith.constant 0 : i32
    %scan3A_20 = arith.constant 8 : i32
    %scan3A_21 = arith.addi %scan3A_19, %scan3A_20 : i32
    %scan3A_22 = arith.constant 1 : i32
    scf.for %scan3A_24 = %scan3A_19 to %scan3A_21 step %scan3A_22  : i32 {
      %broadcast_in_dim3A = arith.constant 0.000000e+00 : f32
      %broadcast_in_dim3A_25 = vector.broadcast %broadcast_in_dim3A : f32 to vector<16xf32>
      %scan3A_26 = arith.constant 0 : i32
      %scan3A_27 = arith.constant 8 : i32
      %scan3A_28 = arith.addi %scan3A_26, %scan3A_27 : i32
      %scan3A_29 = arith.constant 1 : i32
      %scan3A_30 = scf.for %scan3A_44 = %scan3A_26 to %scan3A_28 step %scan3A_29 iter_args(%scan3A_45 = %broadcast_in_dim3A_25) -> (vector<16xf32>)  : i32 {
        %mul3A_46 = arith.constant 8 : i32
        %mul3A_47 = arith.muli %scan3A_24, %mul3A_46 : i32
        %add3A_48 = arith.addi %mul3A_47, %scan3A_44 : i32
        %mul3A_49 = arith.constant 2 : i32
        %mul3A_50 = arith.muli %add3A_48, %mul3A_49 : i32
        %add3A_51 = arith.addi %mul3A_2, %mul3A_50 : i32
        %mul3A_52 = arith.constant 32 : i32
        %mul3A_53 = arith.muli %add3A_51, %mul3A_52 : i32
        %multiple_of3A_54 = tpu.assume_multiple %mul3A_53, 64 : i32
        "tpu.region"() ({
          %run_scoped3A = tpu.sem_alloc : memref<!tpu.dma_semaphore, #tpu.memory_space<semaphore_mem>>
          %dma_start3A_409 = tpu.memref_slice %arg2[%multiple_of3A_54] : memref<131072xi32, #tpu.memory_space<hbm>> -> memref<64xi32, #tpu.memory_space<hbm>>
          %dma_start3A_410 = tpu.memref_slice %arg2[%multiple_of3A_54] : memref<131072xi32, #tpu.memory_space<hbm>> -> memref<64xi32, #tpu.memory_space<hbm>>
          tpu.enqueue_dma source(%dma_start3A_410 : memref<64xi32, #tpu.memory_space<hbm>>) target(%arg5 : memref<64xi32, #tpu.memory_space<vmem>>) target_semaphore(%run_scoped3A : memref<!tpu.dma_semaphore, #tpu.memory_space<semaphore_mem>>)
          %dma_wait3A_411 = tpu.memref_slice %arg2[%multiple_of3A_54] : memref<131072xi32, #tpu.memory_space<hbm>> -> memref<64xi32, #tpu.memory_space<hbm>>
          %dma_wait3A_412 = tpu.memref_slice %arg2[%multiple_of3A_54] : memref<131072xi32, #tpu.memory_space<hbm>> -> memref<64xi32, #tpu.memory_space<hbm>>
          tpu.wait_dma2 semaphore(%run_scoped3A : memref<!tpu.dma_semaphore, #tpu.memory_space<semaphore_mem>>) src(%dma_wait3A_412 : memref<64xi32, #tpu.memory_space<hbm>>) dst(%arg5 : memref<64xi32, #tpu.memory_space<vmem>>)
          tpu.yield
        }) : () -> ()
        %get3A = arith.constant 0 : index
        %get3A_55 = tpu.vector_load %arg5[%get3A] {strides = array<i32>} : memref<64xi32, #tpu.memory_space<vmem>>, vector<16xi32>,
        %get3A_56 = vector.shape_cast %get3A_55 : vector<16xi32> to vector<16xi32>
        %add3A_57 = arith.addi %get3A_56, %mul3A_5 : vector<16xi32>
        %mul3A_58 = arith.constant 4 : i32
        %mul3A_59 = vector.broadcast %mul3A_58 : i32 to vector<16xi32>
        %mul3A_60 = arith.muli %add3A_57, %mul3A_59 : vector<16xi32>
        %get3A_61 = arith.constant 16 : index
        %get3A_62 = tpu.vector_load %arg5[%get3A_61] {strides = array<i32>} : memref<64xi32, #tpu.memory_space<vmem>>, vector<16xi32>,
        %get3A_63 = vector.shape_cast %get3A_62 : vector<16xi32> to vector<16xi32>
        %add3A_64 = arith.addi %get3A_63, %select_n3A : vector<16xi32>
        %mul3A_65 = arith.constant 4 : i32
        %mul3A_66 = vector.broadcast %mul3A_65 : i32 to vector<16xi32>
        %mul3A_67 = arith.muli %add3A_64, %mul3A_66 : vector<16xi32>
        %add3A_68 = arith.constant 0 : i32
        %add3A_69 = vector.broadcast %add3A_68 : i32 to vector<16xi32>
        %add3A_70 = arith.addi %mul3A_60, %add3A_69 : vector<16xi32>
        %swap3A_71 = arith.constant 0 : index
        %swap3A_72 = tpu.vector_load %arg6[%swap3A_71] {strides = array<i32>} : memref<256xi32, #tpu.memory_space<vmem>>, vector<16xi32>,
        %swap3A_73 = vector.shape_cast %swap3A_72 : vector<16xi32> to vector<16xi32>
        %swap3A_74 = vector.shape_cast %add3A_70 : vector<16xi32> to vector<16xi32>
        tpu.vector_store %arg6[%swap3A_71], %swap3A_74 {strides = array<i32>} : memref<256xi32, #tpu.memory_space<vmem>>, vector<16xi32>,
        %add3A_75 = arith.constant 0 : i32
        %add3A_76 = vector.broadcast %add3A_75 : i32 to vector<16xi32>
        %add3A_77 = arith.addi %mul3A_67, %add3A_76 : vector<16xi32>
        %swap3A_78 = arith.constant 16 : index
        %swap3A_79 = tpu.vector_load %arg6[%swap3A_78] {strides = array<i32>} : memref<256xi32, #tpu.memory_space<vmem>>, vector<16xi32>,
        %swap3A_80 = vector.shape_cast %swap3A_79 : vector<16xi32> to vector<16xi32>
        %swap3A_81 = vector.shape_cast %add3A_77 : vector<16xi32> to vector<16xi32>
        tpu.vector_store %arg6[%swap3A_78], %swap3A_81 {strides = array<i32>} : memref<256xi32, #tpu.memory_space<vmem>>, vector<16xi32>,
        %add3A_82 = arith.constant 1 : i32
        %add3A_83 = vector.broadcast %add3A_82 : i32 to vector<16xi32>
        %add3A_84 = arith.addi %mul3A_60, %add3A_83 : vector<16xi32>
        %swap3A_85 = arith.constant 32 : index
        %swap3A_86 = tpu.vector_load %arg6[%swap3A_85] {strides = array<i32>} : memref<256xi32, #tpu.memory_space<vmem>>, vector<16xi32>,
        %swap3A_87 = vector.shape_cast %swap3A_86 : vector<16xi32> to vector<16xi32>
        %swap3A_88 = vector.shape_cast %add3A_84 : vector<16xi32> to vector<16xi32>
        tpu.vector_store %arg6[%swap3A_85], %swap3A_88 {strides = array<i32>} : memref<256xi32, #tpu.memory_space<vmem>>, vector<16xi32>,
        %add3A_89 = arith.constant 1 : i32
        %add3A_90 = vector.broadcast %add3A_89 : i32 to vector<16xi32>
        %add3A_91 = arith.addi %mul3A_67, %add3A_90 : vector<16xi32>
        %swap3A_92 = arith.constant 48 : index
        %swap3A_93 = tpu.vector_load %arg6[%swap3A_92] {strides = array<i32>} : memref<256xi32, #tpu.memory_space<vmem>>, vector<16xi32>,
        %swap3A_94 = vector.shape_cast %swap3A_93 : vector<16xi32> to vector<16xi32>
        %swap3A_95 = vector.shape_cast %add3A_91 : vector<16xi32> to vector<16xi32>
        tpu.vector_store %arg6[%swap3A_92], %swap3A_95 {strides = array<i32>} : memref<256xi32, #tpu.memory_space<vmem>>, vector<16xi32>,
        %add3A_96 = arith.constant 2 : i32
        %add3A_97 = vector.broadcast %add3A_96 : i32 to vector<16xi32>
        %add3A_98 = arith.addi %mul3A_60, %add3A_97 : vector<16xi32>
        %swap3A_99 = arith.constant 64 : index
        %swap3A_100 = tpu.vector_load %arg6[%swap3A_99] {strides = array<i32>} : memref<256xi32, #tpu.memory_space<vmem>>, vector<16xi32>,
        %swap3A_101 = vector.shape_cast %swap3A_100 : vector<16xi32> to vector<16xi32>
        %swap3A_102 = vector.shape_cast %add3A_98 : vector<16xi32> to vector<16xi32>
        tpu.vector_store %arg6[%swap3A_99], %swap3A_102 {strides = array<i32>} : memref<256xi32, #tpu.memory_space<vmem>>, vector<16xi32>,
        %add3A_103 = arith.constant 2 : i32
        %add3A_104 = vector.broadcast %add3A_103 : i32 to vector<16xi32>
        %add3A_105 = arith.addi %mul3A_67, %add3A_104 : vector<16xi32>
        %swap3A_106 = arith.constant 80 : index
        %swap3A_107 = tpu.vector_load %arg6[%swap3A_106] {strides = array<i32>} : memref<256xi32, #tpu.memory_space<vmem>>, vector<16xi32>,
        %swap3A_108 = vector.shape_cast %swap3A_107 : vector<16xi32> to vector<16xi32>
        %swap3A_109 = vector.shape_cast %add3A_105 : vector<16xi32> to vector<16xi32>
        tpu.vector_store %arg6[%swap3A_106], %swap3A_109 {strides = array<i32>} : memref<256xi32, #tpu.memory_space<vmem>>, vector<16xi32>,
        %add3A_110 = arith.constant 3 : i32
        %add3A_111 = vector.broadcast %add3A_110 : i32 to vector<16xi32>
        %add3A_112 = arith.addi %mul3A_60, %add3A_111 : vector<16xi32>
        %swap3A_113 = arith.constant 96 : index
        %swap3A_114 = tpu.vector_load %arg6[%swap3A_113] {strides = array<i32>} : memref<256xi32, #tpu.memory_space<vmem>>, vector<16xi32>,
        %swap3A_115 = vector.shape_cast %swap3A_114 : vector<16xi32> to vector<16xi32>
        %swap3A_116 = vector.shape_cast %add3A_112 : vector<16xi32> to vector<16xi32>
        tpu.vector_store %arg6[%swap3A_113], %swap3A_116 {strides = array<i32>} : memref<256xi32, #tpu.memory_space<vmem>>, vector<16xi32>,
        %add3A_117 = arith.constant 3 : i32
        %add3A_118 = vector.broadcast %add3A_117 : i32 to vector<16xi32>
        %add3A_119 = arith.addi %mul3A_67, %add3A_118 : vector<16xi32>
        %swap3A_120 = arith.constant 112 : index
        %swap3A_121 = tpu.vector_load %arg6[%swap3A_120] {strides = array<i32>} : memref<256xi32, #tpu.memory_space<vmem>>, vector<16xi32>,
        %swap3A_122 = vector.shape_cast %swap3A_121 : vector<16xi32> to vector<16xi32>
        %swap3A_123 = vector.shape_cast %add3A_119 : vector<16xi32> to vector<16xi32>
        tpu.vector_store %arg6[%swap3A_120], %swap3A_123 {strides = array<i32>} : memref<256xi32, #tpu.memory_space<vmem>>, vector<16xi32>,
        %get3A_124 = arith.constant 32 : index
        %get3A_125 = tpu.vector_load %arg5[%get3A_124] {strides = array<i32>} : memref<64xi32, #tpu.memory_space<vmem>>, vector<16xi32>,
        %get3A_126 = vector.shape_cast %get3A_125 : vector<16xi32> to vector<16xi32>
        %add3A_127 = arith.addi %get3A_126, %mul3A_5 : vector<16xi32>
        %mul3A_128 = arith.constant 4 : i32
        %mul3A_129 = vector.broadcast %mul3A_128 : i32 to vector<16xi32>
        %mul3A_130 = arith.muli %add3A_127, %mul3A_129 : vector<16xi32>
        %get3A_131 = arith.constant 48 : index
        %get3A_132 = tpu.vector_load %arg5[%get3A_131] {strides = array<i32>} : memref<64xi32, #tpu.memory_space<vmem>>, vector<16xi32>,
        %get3A_133 = vector.shape_cast %get3A_132 : vector<16xi32> to vector<16xi32>
        %add3A_134 = arith.addi %get3A_133, %select_n3A : vector<16xi32>
        %mul3A_135 = arith.constant 4 : i32
        %mul3A_136 = vector.broadcast %mul3A_135 : i32 to vector<16xi32>
        %mul3A_137 = arith.muli %add3A_134, %mul3A_136 : vector<16xi32>
        %add3A_138 = arith.constant 0 : i32
        %add3A_139 = vector.broadcast %add3A_138 : i32 to vector<16xi32>
        %add3A_140 = arith.addi %mul3A_130, %add3A_139 : vector<16xi32>
        %swap3A_141 = arith.constant 128 : index
        %swap3A_142 = tpu.vector_load %arg6[%swap3A_141] {strides = array<i32>} : memref<256xi32, #tpu.memory_space<vmem>>, vector<16xi32>,
        %swap3A_143 = vector.shape_cast %swap3A_142 : vector<16xi32> to vector<16xi32>
        %swap3A_144 = vector.shape_cast %add3A_140 : vector<16xi32> to vector<16xi32>
        tpu.vector_store %arg6[%swap3A_141], %swap3A_144 {strides = array<i32>} : memref<256xi32, #tpu.memory_space<vmem>>, vector<16xi32>,
        %add3A_145 = arith.constant 0 : i32
        %add3A_146 = vector.broadcast %add3A_145 : i32 to vector<16xi32>
        %add3A_147 = arith.addi %mul3A_137, %add3A_146 : vector<16xi32>
        %swap3A_148 = arith.constant 144 : index
        %swap3A_149 = tpu.vector_load %arg6[%swap3A_148] {strides = array<i32>} : memref<256xi32, #tpu.memory_space<vmem>>, vector<16xi32>,
        %swap3A_150 = vector.shape_cast %swap3A_149 : vector<16xi32> to vector<16xi32>
        %swap3A_151 = vector.shape_cast %add3A_147 : vector<16xi32> to vector<16xi32>
        tpu.vector_store %arg6[%swap3A_148], %swap3A_151 {strides = array<i32>} : memref<256xi32, #tpu.memory_space<vmem>>, vector<16xi32>,
        %add3A_152 = arith.constant 1 : i32
        %add3A_153 = vector.broadcast %add3A_152 : i32 to vector<16xi32>
        %add3A_154 = arith.addi %mul3A_130, %add3A_153 : vector<16xi32>
        %swap3A_155 = arith.constant 160 : index
        %swap3A_156 = tpu.vector_load %arg6[%swap3A_155] {strides = array<i32>} : memref<256xi32, #tpu.memory_space<vmem>>, vector<16xi32>,
        %swap3A_157 = vector.shape_cast %swap3A_156 : vector<16xi32> to vector<16xi32>
        %swap3A_158 = vector.shape_cast %add3A_154 : vector<16xi32> to vector<16xi32>
        tpu.vector_store %arg6[%swap3A_155], %swap3A_158 {strides = array<i32>} : memref<256xi32, #tpu.memory_space<vmem>>, vector<16xi32>,
        %add3A_159 = arith.constant 1 : i32
        %add3A_160 = vector.broadcast %add3A_159 : i32 to vector<16xi32>
        %add3A_161 = arith.addi %mul3A_137, %add3A_160 : vector<16xi32>
        %swap3A_162 = arith.constant 176 : index
        %swap3A_163 = tpu.vector_load %arg6[%swap3A_162] {strides = array<i32>} : memref<256xi32, #tpu.memory_space<vmem>>, vector<16xi32>,
        %swap3A_164 = vector.shape_cast %swap3A_163 : vector<16xi32> to vector<16xi32>
        %swap3A_165 = vector.shape_cast %add3A_161 : vector<16xi32> to vector<16xi32>
        tpu.vector_store %arg6[%swap3A_162], %swap3A_165 {strides = array<i32>} : memref<256xi32, #tpu.memory_space<vmem>>, vector<16xi32>,
        %add3A_166 = arith.constant 2 : i32
        %add3A_167 = vector.broadcast %add3A_166 : i32 to vector<16xi32>
        %add3A_168 = arith.addi %mul3A_130, %add3A_167 : vector<16xi32>
        %swap3A_169 = arith.constant 192 : index
        %swap3A_170 = tpu.vector_load %arg6[%swap3A_169] {strides = array<i32>} : memref<256xi32, #tpu.memory_space<vmem>>, vector<16xi32>,
        %swap3A_171 = vector.shape_cast %swap3A_170 : vector<16xi32> to vector<16xi32>
        %swap3A_172 = vector.shape_cast %add3A_168 : vector<16xi32> to vector<16xi32>
        tpu.vector_store %arg6[%swap3A_169], %swap3A_172 {strides = array<i32>} : memref<256xi32, #tpu.memory_space<vmem>>, vector<16xi32>,
        %add3A_173 = arith.constant 2 : i32
        %add3A_174 = vector.broadcast %add3A_173 : i32 to vector<16xi32>
        %add3A_175 = arith.addi %mul3A_137, %add3A_174 : vector<16xi32>
        %swap3A_176 = arith.constant 208 : index
        %swap3A_177 = tpu.vector_load %arg6[%swap3A_176] {strides = array<i32>} : memref<256xi32, #tpu.memory_space<vmem>>, vector<16xi32>,
        %swap3A_178 = vector.shape_cast %swap3A_177 : vector<16xi32> to vector<16xi32>
        %swap3A_179 = vector.shape_cast %add3A_175 : vector<16xi32> to vector<16xi32>
        tpu.vector_store %arg6[%swap3A_176], %swap3A_179 {strides = array<i32>} : memref<256xi32, #tpu.memory_space<vmem>>, vector<16xi32>,
        %add3A_180 = arith.constant 3 : i32
        %add3A_181 = vector.broadcast %add3A_180 : i32 to vector<16xi32>
        %add3A_182 = arith.addi %mul3A_130, %add3A_181 : vector<16xi32>
        %swap3A_183 = arith.constant 224 : index
        %swap3A_184 = tpu.vector_load %arg6[%swap3A_183] {strides = array<i32>} : memref<256xi32, #tpu.memory_space<vmem>>, vector<16xi32>,
        %swap3A_185 = vector.shape_cast %swap3A_184 : vector<16xi32> to vector<16xi32>
        %swap3A_186 = vector.shape_cast %add3A_182 : vector<16xi32> to vector<16xi32>
        tpu.vector_store %arg6[%swap3A_183], %swap3A_186 {strides = array<i32>} : memref<256xi32, #tpu.memory_space<vmem>>, vector<16xi32>,
        %add3A_187 = arith.constant 3 : i32
        %add3A_188 = vector.broadcast %add3A_187 : i32 to vector<16xi32>
        %add3A_189 = arith.addi %mul3A_137, %add3A_188 : vector<16xi32>
        %swap3A_190 = arith.constant 240 : index
        %swap3A_191 = tpu.vector_load %arg6[%swap3A_190] {strides = array<i32>} : memref<256xi32, #tpu.memory_space<vmem>>, vector<16xi32>,
        %swap3A_192 = vector.shape_cast %swap3A_191 : vector<16xi32> to vector<16xi32>
        %swap3A_193 = vector.shape_cast %add3A_189 : vector<16xi32> to vector<16xi32>
        tpu.vector_store %arg6[%swap3A_190], %swap3A_193 {strides = array<i32>} : memref<256xi32, #tpu.memory_space<vmem>>, vector<16xi32>,
        %dma_start3A = arith.constant 0 : i32
        %dma_start3A_194 = arith.constant 0 : i32
        %dma_start3A_195 = tpu.memref_slice %arg7[%dma_start3A, %dma_start3A_194] : memref<256x128xf32, #tpu.memory_space<vmem>> -> memref<128x128xf32, #tpu.memory_space<vmem>>
        %dma_start3A_196 = arith.constant 0 : i32
        %dma_start3A_197 = tpu.memref_slice %arg6[%dma_start3A_196] : memref<256xi32, #tpu.memory_space<vmem>> -> memref<128xi32, #tpu.memory_space<vmem>>
        %dma_start3A_198 = arith.constant 0 : i32
        %dma_start3A_199 = arith.constant 0 : i32
        %dma_start3A_200 = tpu.memref_slice %arg3[%dma_start3A_198, %dma_start3A_199] : memref<416004x128xf32, #tpu.memory_space<hbm>> -> memref<416004x128xf32, #tpu.memory_space<hbm>>
        tpu.enqueue_indirect_dma source(%dma_start3A_200 : memref<416004x128xf32, #tpu.memory_space<hbm>>) target(%dma_start3A_195 : memref<128x128xf32, #tpu.memory_space<vmem>>) offsets(%dma_start3A_197 : memref<128xi32, #tpu.memory_space<vmem>>) semaphore(%arg9 : memref<!tpu.dma_semaphore, #tpu.memory_space<semaphore_mem>>)
        %dma_start3A_201 = arith.constant 128 : i32
        %dma_start3A_202 = arith.constant 0 : i32
        %dma_start3A_203 = tpu.memref_slice %arg7[%dma_start3A_201, %dma_start3A_202] : memref<256x128xf32, #tpu.memory_space<vmem>> -> memref<128x128xf32, #tpu.memory_space<vmem>>
        %dma_start3A_204 = arith.constant 128 : i32
        %dma_start3A_205 = tpu.memref_slice %arg6[%dma_start3A_204] : memref<256xi32, #tpu.memory_space<vmem>> -> memref<128xi32, #tpu.memory_space<vmem>>
        %dma_start3A_206 = arith.constant 0 : i32
        %dma_start3A_207 = arith.constant 0 : i32
        %dma_start3A_208 = tpu.memref_slice %arg3[%dma_start3A_206, %dma_start3A_207] : memref<416004x128xf32, #tpu.memory_space<hbm>> -> memref<416004x128xf32, #tpu.memory_space<hbm>>
        tpu.enqueue_indirect_dma source(%dma_start3A_208 : memref<416004x128xf32, #tpu.memory_space<hbm>>) target(%dma_start3A_203 : memref<128x128xf32, #tpu.memory_space<vmem>>) offsets(%dma_start3A_205 : memref<128xi32, #tpu.memory_space<vmem>>) semaphore(%arg9 : memref<!tpu.dma_semaphore, #tpu.memory_space<semaphore_mem>>)
        %dma_wait3A = arith.constant 0 : i32
        %dma_wait3A_209 = arith.constant 0 : i32
        %dma_wait3A_210 = tpu.memref_slice %arg7[%dma_wait3A, %dma_wait3A_209] : memref<256x128xf32, #tpu.memory_space<vmem>> -> memref<128x128xf32, #tpu.memory_space<vmem>>
        %dma_wait3A_211 = arith.constant 0 : i32
        %dma_wait3A_212 = tpu.memref_slice %arg6[%dma_wait3A_211] : memref<256xi32, #tpu.memory_space<vmem>> -> memref<128xi32, #tpu.memory_space<vmem>>
        %dma_wait3A_213 = arith.constant 0 : i32
        %dma_wait3A_214 = arith.constant 0 : i32
        %dma_wait3A_215 = tpu.memref_slice %arg3[%dma_wait3A_213, %dma_wait3A_214] : memref<416004x128xf32, #tpu.memory_space<hbm>> -> memref<416004x128xf32, #tpu.memory_space<hbm>>
        tpu.wait_indirect_dma semaphore(%arg9 : memref<!tpu.dma_semaphore, #tpu.memory_space<semaphore_mem>>) src(%dma_wait3A_215 : memref<416004x128xf32, #tpu.memory_space<hbm>>) dst(%dma_wait3A_210 : memref<128x128xf32, #tpu.memory_space<vmem>>)
        %dma_wait3A_216 = arith.constant 128 : i32
        %dma_wait3A_217 = arith.constant 0 : i32
        %dma_wait3A_218 = tpu.memref_slice %arg7[%dma_wait3A_216, %dma_wait3A_217] : memref<256x128xf32, #tpu.memory_space<vmem>> -> memref<128x128xf32, #tpu.memory_space<vmem>>
        %dma_wait3A_219 = arith.constant 128 : i32
        %dma_wait3A_220 = tpu.memref_slice %arg6[%dma_wait3A_219] : memref<256xi32, #tpu.memory_space<vmem>> -> memref<128xi32, #tpu.memory_space<vmem>>
        %dma_wait3A_221 = arith.constant 0 : i32
        %dma_wait3A_222 = arith.constant 0 : i32
        %dma_wait3A_223 = tpu.memref_slice %arg3[%dma_wait3A_221, %dma_wait3A_222] : memref<416004x128xf32, #tpu.memory_space<hbm>> -> memref<416004x128xf32, #tpu.memory_space<hbm>>
        tpu.wait_indirect_dma semaphore(%arg9 : memref<!tpu.dma_semaphore, #tpu.memory_space<semaphore_mem>>) src(%dma_wait3A_223 : memref<416004x128xf32, #tpu.memory_space<hbm>>) dst(%dma_wait3A_218 : memref<128x128xf32, #tpu.memory_space<vmem>>)
        %broadcast_in_dim3A_224 = arith.constant 0.000000e+00 : f32
        %broadcast_in_dim3A_225 = vector.broadcast %broadcast_in_dim3A_224 : f32 to vector<16xf32>
        %scan3A_226 = arith.constant 0 : i32
        %scan3A_227 = arith.constant 26 : i32
        %scan3A_228 = arith.addi %scan3A_226, %scan3A_227 : i32
        %scan3A_229 = arith.constant 1 : i32
        %scan3A_230:5 = scf.for %scan3A_409 = %scan3A_226 to %scan3A_228 step %scan3A_229 iter_args(%scan3A_410 = %broadcast_in_dim3A_225, %scan3A_411 = %broadcast_in_dim3A_225, %scan3A_412 = %broadcast_in_dim3A_225, %scan3A_413 = %broadcast_in_dim3A_225, %scan3A_414 = %broadcast_in_dim3A_225) -> (vector<16xf32>, vector<16xf32>, vector<16xf32>, vector<16xf32>, vector<16xf32>)  : i32 {
          %shift_right_arithmetic3A = arith.constant 3 : i32
          %shift_right_arithmetic3A_415 = arith.shrsi %scan3A_409, %shift_right_arithmetic3A : i32
          %mul3A_416 = arith.constant 32 : i32
          %mul3A_417 = arith.muli %shift_right_arithmetic3A_415, %mul3A_416 : i32
          %add3A_418 = arith.constant 0 : i32
          %add3A_419 = arith.addi %add3A_418, %mul3A_417 : i32
          %and3A = arith.constant 7 : i32
          %and3A_420 = arith.andi %scan3A_409, %and3A : i32
          %mul3A_421 = arith.constant 16 : i32
          %mul3A_422 = arith.muli %and3A_420, %mul3A_421 : i32
          %multiple_of3A_423 = tpu.assume_multiple %mul3A_422, 16 : i32
          %add3A_424 = arith.constant 0 : i32
          %add3A_425 = arith.addi %add3A_424, %scan3A_409 : i32
          %add3A_426 = arith.constant 0 : i32
          %add3A_427 = arith.addi %add3A_419, %add3A_426 : i32
          %get3A_428 = arith.index_cast %add3A_427 : i32 to index
          %get3A_429 = arith.index_cast %multiple_of3A_423 : i32 to index
          %get3A_430 = tpu.vector_load %arg7[%get3A_428, %get3A_429] {strides = array<i32>} : memref<256x128xf32, #tpu.memory_space<vmem>>, vector<1x16xf32>,
          %get3A_431 = vector.shape_cast %get3A_430 : vector<1x16xf32> to vector<16xf32>
          %get3A_432 = arith.index_cast %add3A_425 : i32 to index
          %get3A_433 = arith.constant 0 : index
          %get3A_434 = tpu.vector_load %arg7[%get3A_432, %get3A_433] {strides = array<i32>} : memref<256x128xf32, #tpu.memory_space<vmem>>, vector<1x16xf32>,
          %get3A_435 = vector.shape_cast %get3A_434 : vector<1x16xf32> to vector<16xf32>
          %mul3A_436 = arith.mulf %get3A_431, %get3A_435 : vector<16xf32>
          %add3A_437 = arith.addf %scan3A_410, %mul3A_436 : vector<16xf32>
          %add3A_438 = arith.constant 1 : i32
          %add3A_439 = arith.addi %add3A_419, %add3A_438 : i32
          %get3A_440 = arith.index_cast %add3A_439 : i32 to index
          %get3A_441 = arith.index_cast %multiple_of3A_423 : i32 to index
          %get3A_442 = tpu.vector_load %arg7[%get3A_440, %get3A_441] {strides = array<i32>} : memref<256x128xf32, #tpu.memory_space<vmem>>, vector<1x16xf32>,
          %get3A_443 = vector.shape_cast %get3A_442 : vector<1x16xf32> to vector<16xf32>
          %get3A_444 = arith.index_cast %add3A_425 : i32 to index
          %get3A_445 = arith.constant 16 : index
          %get3A_446 = tpu.vector_load %arg7[%get3A_444, %get3A_445] {strides = array<i32>} : memref<256x128xf32, #tpu.memory_space<vmem>>, vector<1x16xf32>,
          %get3A_447 = vector.shape_cast %get3A_446 : vector<1x16xf32> to vector<16xf32>
          %mul3A_448 = arith.mulf %get3A_443, %get3A_447 : vector<16xf32>
          %add3A_449 = arith.addf %scan3A_411, %mul3A_448 : vector<16xf32>
          %add3A_450 = arith.constant 2 : i32
          %add3A_451 = arith.addi %add3A_419, %add3A_450 : i32
          %get3A_452 = arith.index_cast %add3A_451 : i32 to index
          %get3A_453 = arith.index_cast %multiple_of3A_423 : i32 to index
          %get3A_454 = tpu.vector_load %arg7[%get3A_452, %get3A_453] {strides = array<i32>} : memref<256x128xf32, #tpu.memory_space<vmem>>, vector<1x16xf32>,
          %get3A_455 = vector.shape_cast %get3A_454 : vector<1x16xf32> to vector<16xf32>
          %get3A_456 = arith.index_cast %add3A_425 : i32 to index
          %get3A_457 = arith.constant 32 : index
          %get3A_458 = tpu.vector_load %arg7[%get3A_456, %get3A_457] {strides = array<i32>} : memref<256x128xf32, #tpu.memory_space<vmem>>, vector<1x16xf32>,
          %get3A_459 = vector.shape_cast %get3A_458 : vector<1x16xf32> to vector<16xf32>
          %mul3A_460 = arith.mulf %get3A_455, %get3A_459 : vector<16xf32>
          %add3A_461 = arith.addf %scan3A_412, %mul3A_460 : vector<16xf32>
          %add3A_462 = arith.constant 3 : i32
          %add3A_463 = arith.addi %add3A_419, %add3A_462 : i32
          %get3A_464 = arith.index_cast %add3A_463 : i32 to index
          %get3A_465 = arith.index_cast %multiple_of3A_423 : i32 to index
          %get3A_466 = tpu.vector_load %arg7[%get3A_464, %get3A_465] {strides = array<i32>} : memref<256x128xf32, #tpu.memory_space<vmem>>, vector<1x16xf32>,
          %get3A_467 = vector.shape_cast %get3A_466 : vector<1x16xf32> to vector<16xf32>
          %get3A_468 = arith.index_cast %add3A_425 : i32 to index
          %get3A_469 = arith.constant 48 : index
          %get3A_470 = tpu.vector_load %arg7[%get3A_468, %get3A_469] {strides = array<i32>} : memref<256x128xf32, #tpu.memory_space<vmem>>, vector<1x16xf32>,
          %get3A_471 = vector.shape_cast %get3A_470 : vector<1x16xf32> to vector<16xf32>
          %mul3A_472 = arith.mulf %get3A_467, %get3A_471 : vector<16xf32>
          %add3A_473 = arith.addf %scan3A_413, %mul3A_472 : vector<16xf32>
          %add3A_474 = arith.constant 4 : i32
          %add3A_475 = arith.addi %add3A_419, %add3A_474 : i32
          %get3A_476 = arith.index_cast %add3A_475 : i32 to index
          %get3A_477 = arith.index_cast %multiple_of3A_423 : i32 to index
          %get3A_478 = tpu.vector_load %arg7[%get3A_476, %get3A_477] {strides = array<i32>} : memref<256x128xf32, #tpu.memory_space<vmem>>, vector<1x16xf32>,
          %get3A_479 = vector.shape_cast %get3A_478 : vector<1x16xf32> to vector<16xf32>
          %get3A_480 = arith.index_cast %add3A_425 : i32 to index
          %get3A_481 = arith.constant 64 : index
          %get3A_482 = tpu.vector_load %arg7[%get3A_480, %get3A_481] {strides = array<i32>} : memref<256x128xf32, #tpu.memory_space<vmem>>, vector<1x16xf32>,
          %get3A_483 = vector.shape_cast %get3A_482 : vector<1x16xf32> to vector<16xf32>
          %mul3A_484 = arith.mulf %get3A_479, %get3A_483 : vector<16xf32>
          %add3A_485 = arith.addf %add3A_437, %mul3A_484 : vector<16xf32>
          %add3A_486 = arith.constant 5 : i32
          %add3A_487 = arith.addi %add3A_419, %add3A_486 : i32
          %get3A_488 = arith.index_cast %add3A_487 : i32 to index
          %get3A_489 = arith.index_cast %multiple_of3A_423 : i32 to index
          %get3A_490 = tpu.vector_load %arg7[%get3A_488, %get3A_489] {strides = array<i32>} : memref<256x128xf32, #tpu.memory_space<vmem>>, vector<1x16xf32>,
          %get3A_491 = vector.shape_cast %get3A_490 : vector<1x16xf32> to vector<16xf32>
          %get3A_492 = arith.index_cast %add3A_425 : i32 to index
          %get3A_493 = arith.constant 80 : index
          %get3A_494 = tpu.vector_load %arg7[%get3A_492, %get3A_493] {strides = array<i32>} : memref<256x128xf32, #tpu.memory_space<vmem>>, vector<1x16xf32>,
          %get3A_495 = vector.shape_cast %get3A_494 : vector<1x16xf32> to vector<16xf32>
          %mul3A_496 = arith.mulf %get3A_491, %get3A_495 : vector<16xf32>
          %add3A_497 = arith.addf %add3A_449, %mul3A_496 : vector<16xf32>
          %add3A_498 = arith.constant 6 : i32
          %add3A_499 = arith.addi %add3A_419, %add3A_498 : i32
          %get3A_500 = arith.index_cast %add3A_499 : i32 to index
          %get3A_501 = arith.index_cast %multiple_of3A_423 : i32 to index
          %get3A_502 = tpu.vector_load %arg7[%get3A_500, %get3A_501] {strides = array<i32>} : memref<256x128xf32, #tpu.memory_space<vmem>>, vector<1x16xf32>,
          %get3A_503 = vector.shape_cast %get3A_502 : vector<1x16xf32> to vector<16xf32>
          %get3A_504 = arith.index_cast %add3A_425 : i32 to index
          %get3A_505 = arith.constant 96 : index
          %get3A_506 = tpu.vector_load %arg7[%get3A_504, %get3A_505] {strides = array<i32>} : memref<256x128xf32, #tpu.memory_space<vmem>>, vector<1x16xf32>,
          %get3A_507 = vector.shape_cast %get3A_506 : vector<1x16xf32> to vector<16xf32>
          %mul3A_508 = arith.mulf %get3A_503, %get3A_507 : vector<16xf32>
          %add3A_509 = arith.addf %add3A_461, %mul3A_508 : vector<16xf32>
          %add3A_510 = arith.constant 7 : i32
          %add3A_511 = arith.addi %add3A_419, %add3A_510 : i32
          %get3A_512 = arith.index_cast %add3A_511 : i32 to index
          %get3A_513 = arith.index_cast %multiple_of3A_423 : i32 to index
          %get3A_514 = tpu.vector_load %arg7[%get3A_512, %get3A_513] {strides = array<i32>} : memref<256x128xf32, #tpu.memory_space<vmem>>, vector<1x16xf32>,
          %get3A_515 = vector.shape_cast %get3A_514 : vector<1x16xf32> to vector<16xf32>
          %get3A_516 = arith.index_cast %add3A_425 : i32 to index
          %get3A_517 = arith.constant 112 : index
          %get3A_518 = tpu.vector_load %arg7[%get3A_516, %get3A_517] {strides = array<i32>} : memref<256x128xf32, #tpu.memory_space<vmem>>, vector<1x16xf32>,
          %get3A_519 = vector.shape_cast %get3A_518 : vector<1x16xf32> to vector<16xf32>
          %mul3A_520 = arith.mulf %get3A_515, %get3A_519 : vector<16xf32>
          %add3A_521 = arith.addf %add3A_473, %mul3A_520 : vector<16xf32>
          %add3A_522 = arith.constant 32 : i32
          %add3A_523 = arith.addi %add3A_522, %scan3A_409 : i32
          %add3A_524 = arith.constant 8 : i32
          %add3A_525 = arith.addi %add3A_419, %add3A_524 : i32
          %get3A_526 = arith.index_cast %add3A_525 : i32 to index
          %get3A_527 = arith.index_cast %multiple_of3A_423 : i32 to index
          %get3A_528 = tpu.vector_load %arg7[%get3A_526, %get3A_527] {strides = array<i32>} : memref<256x128xf32, #tpu.memory_space<vmem>>, vector<1x16xf32>,
          %get3A_529 = vector.shape_cast %get3A_528 : vector<1x16xf32> to vector<16xf32>
          %get3A_530 = arith.index_cast %add3A_523 : i32 to index
          %get3A_531 = arith.constant 0 : index
          %get3A_532 = tpu.vector_load %arg7[%get3A_530, %get3A_531] {strides = array<i32>} : memref<256x128xf32, #tpu.memory_space<vmem>>, vector<1x16xf32>,
          %get3A_533 = vector.shape_cast %get3A_532 : vector<1x16xf32> to vector<16xf32>
          %mul3A_534 = arith.mulf %get3A_529, %get3A_533 : vector<16xf32>
          %add3A_535 = arith.addf %add3A_485, %mul3A_534 : vector<16xf32>
          %add3A_536 = arith.constant 9 : i32
          %add3A_537 = arith.addi %add3A_419, %add3A_536 : i32
          %get3A_538 = arith.index_cast %add3A_537 : i32 to index
          %get3A_539 = arith.index_cast %multiple_of3A_423 : i32 to index
          %get3A_540 = tpu.vector_load %arg7[%get3A_538, %get3A_539] {strides = array<i32>} : memref<256x128xf32, #tpu.memory_space<vmem>>, vector<1x16xf32>,
          %get3A_541 = vector.shape_cast %get3A_540 : vector<1x16xf32> to vector<16xf32>
          %get3A_542 = arith.index_cast %add3A_523 : i32 to index
          %get3A_543 = arith.constant 16 : index
          %get3A_544 = tpu.vector_load %arg7[%get3A_542, %get3A_543] {strides = array<i32>} : memref<256x128xf32, #tpu.memory_space<vmem>>, vector<1x16xf32>,
          %get3A_545 = vector.shape_cast %get3A_544 : vector<1x16xf32> to vector<16xf32>
          %mul3A_546 = arith.mulf %get3A_541, %get3A_545 : vector<16xf32>
          %add3A_547 = arith.addf %add3A_497, %mul3A_546 : vector<16xf32>
          %add3A_548 = arith.constant 10 : i32
          %add3A_549 = arith.addi %add3A_419, %add3A_548 : i32
          %get3A_550 = arith.index_cast %add3A_549 : i32 to index
          %get3A_551 = arith.index_cast %multiple_of3A_423 : i32 to index
          %get3A_552 = tpu.vector_load %arg7[%get3A_550, %get3A_551] {strides = array<i32>} : memref<256x128xf32, #tpu.memory_space<vmem>>, vector<1x16xf32>,
          %get3A_553 = vector.shape_cast %get3A_552 : vector<1x16xf32> to vector<16xf32>
          %get3A_554 = arith.index_cast %add3A_523 : i32 to index
          %get3A_555 = arith.constant 32 : index
          %get3A_556 = tpu.vector_load %arg7[%get3A_554, %get3A_555] {strides = array<i32>} : memref<256x128xf32, #tpu.memory_space<vmem>>, vector<1x16xf32>,
          %get3A_557 = vector.shape_cast %get3A_556 : vector<1x16xf32> to vector<16xf32>
          %mul3A_558 = arith.mulf %get3A_553, %get3A_557 : vector<16xf32>
          %add3A_559 = arith.addf %add3A_509, %mul3A_558 : vector<16xf32>
          %add3A_560 = arith.constant 11 : i32
          %add3A_561 = arith.addi %add3A_419, %add3A_560 : i32
          %get3A_562 = arith.index_cast %add3A_561 : i32 to index
          %get3A_563 = arith.index_cast %multiple_of3A_423 : i32 to index
          %get3A_564 = tpu.vector_load %arg7[%get3A_562, %get3A_563] {strides = array<i32>} : memref<256x128xf32, #tpu.memory_space<vmem>>, vector<1x16xf32>,
          %get3A_565 = vector.shape_cast %get3A_564 : vector<1x16xf32> to vector<16xf32>
          %get3A_566 = arith.index_cast %add3A_523 : i32 to index
          %get3A_567 = arith.constant 48 : index
          %get3A_568 = tpu.vector_load %arg7[%get3A_566, %get3A_567] {strides = array<i32>} : memref<256x128xf32, #tpu.memory_space<vmem>>, vector<1x16xf32>,
          %get3A_569 = vector.shape_cast %get3A_568 : vector<1x16xf32> to vector<16xf32>
          %mul3A_570 = arith.mulf %get3A_565, %get3A_569 : vector<16xf32>
          %add3A_571 = arith.addf %add3A_521, %mul3A_570 : vector<16xf32>
          %add3A_572 = arith.constant 12 : i32
          %add3A_573 = arith.addi %add3A_419, %add3A_572 : i32
          %get3A_574 = arith.index_cast %add3A_573 : i32 to index
          %get3A_575 = arith.index_cast %multiple_of3A_423 : i32 to index
          %get3A_576 = tpu.vector_load %arg7[%get3A_574, %get3A_575] {strides = array<i32>} : memref<256x128xf32, #tpu.memory_space<vmem>>, vector<1x16xf32>,
          %get3A_577 = vector.shape_cast %get3A_576 : vector<1x16xf32> to vector<16xf32>
          %get3A_578 = arith.index_cast %add3A_523 : i32 to index
          %get3A_579 = arith.constant 64 : index
          %get3A_580 = tpu.vector_load %arg7[%get3A_578, %get3A_579] {strides = array<i32>} : memref<256x128xf32, #tpu.memory_space<vmem>>, vector<1x16xf32>,
          %get3A_581 = vector.shape_cast %get3A_580 : vector<1x16xf32> to vector<16xf32>
          %mul3A_582 = arith.mulf %get3A_577, %get3A_581 : vector<16xf32>
          %add3A_583 = arith.addf %add3A_535, %mul3A_582 : vector<16xf32>
          %add3A_584 = arith.constant 13 : i32
          %add3A_585 = arith.addi %add3A_419, %add3A_584 : i32
          %get3A_586 = arith.index_cast %add3A_585 : i32 to index
          %get3A_587 = arith.index_cast %multiple_of3A_423 : i32 to index
          %get3A_588 = tpu.vector_load %arg7[%get3A_586, %get3A_587] {strides = array<i32>} : memref<256x128xf32, #tpu.memory_space<vmem>>, vector<1x16xf32>,
          %get3A_589 = vector.shape_cast %get3A_588 : vector<1x16xf32> to vector<16xf32>
          %get3A_590 = arith.index_cast %add3A_523 : i32 to index
          %get3A_591 = arith.constant 80 : index
          %get3A_592 = tpu.vector_load %arg7[%get3A_590, %get3A_591] {strides = array<i32>} : memref<256x128xf32, #tpu.memory_space<vmem>>, vector<1x16xf32>,
          %get3A_593 = vector.shape_cast %get3A_592 : vector<1x16xf32> to vector<16xf32>
          %mul3A_594 = arith.mulf %get3A_589, %get3A_593 : vector<16xf32>
          %add3A_595 = arith.addf %add3A_547, %mul3A_594 : vector<16xf32>
          %add3A_596 = arith.constant 14 : i32
          %add3A_597 = arith.addi %add3A_419, %add3A_596 : i32
          %get3A_598 = arith.index_cast %add3A_597 : i32 to index
          %get3A_599 = arith.index_cast %multiple_of3A_423 : i32 to index
          %get3A_600 = tpu.vector_load %arg7[%get3A_598, %get3A_599] {strides = array<i32>} : memref<256x128xf32, #tpu.memory_space<vmem>>, vector<1x16xf32>,
          %get3A_601 = vector.shape_cast %get3A_600 : vector<1x16xf32> to vector<16xf32>
          %get3A_602 = arith.index_cast %add3A_523 : i32 to index
          %get3A_603 = arith.constant 96 : index
          %get3A_604 = tpu.vector_load %arg7[%get3A_602, %get3A_603] {strides = array<i32>} : memref<256x128xf32, #tpu.memory_space<vmem>>, vector<1x16xf32>,
          %get3A_605 = vector.shape_cast %get3A_604 : vector<1x16xf32> to vector<16xf32>
          %mul3A_606 = arith.mulf %get3A_601, %get3A_605 : vector<16xf32>
          %add3A_607 = arith.addf %add3A_559, %mul3A_606 : vector<16xf32>
          %add3A_608 = arith.constant 15 : i32
          %add3A_609 = arith.addi %add3A_419, %add3A_608 : i32
          %get3A_610 = arith.index_cast %add3A_609 : i32 to index
          %get3A_611 = arith.index_cast %multiple_of3A_423 : i32 to index
          %get3A_612 = tpu.vector_load %arg7[%get3A_610, %get3A_611] {strides = array<i32>} : memref<256x128xf32, #tpu.memory_space<vmem>>, vector<1x16xf32>,
          %get3A_613 = vector.shape_cast %get3A_612 : vector<1x16xf32> to vector<16xf32>
          %get3A_614 = arith.index_cast %add3A_523 : i32 to index
          %get3A_615 = arith.constant 112 : index
          %get3A_616 = tpu.vector_load %arg7[%get3A_614, %get3A_615] {strides = array<i32>} : memref<256x128xf32, #tpu.memory_space<vmem>>, vector<1x16xf32>,
          %get3A_617 = vector.shape_cast %get3A_616 : vector<1x16xf32> to vector<16xf32>
          %mul3A_618 = arith.mulf %get3A_613, %get3A_617 : vector<16xf32>
          %add3A_619 = arith.addf %add3A_571, %mul3A_618 : vector<16xf32>
          %add3A_620 = arith.constant 64 : i32
          %add3A_621 = arith.addi %add3A_620, %scan3A_409 : i32
          %add3A_622 = arith.constant 16 : i32
          %add3A_623 = arith.addi %add3A_419, %add3A_622 : i32
          %get3A_624 = arith.index_cast %add3A_623 : i32 to index
          %get3A_625 = arith.index_cast %multiple_of3A_423 : i32 to index
          %get3A_626 = tpu.vector_load %arg7[%get3A_624, %get3A_625] {strides = array<i32>} : memref<256x128xf32, #tpu.memory_space<vmem>>, vector<1x16xf32>,
          %get3A_627 = vector.shape_cast %get3A_626 : vector<1x16xf32> to vector<16xf32>
          %get3A_628 = arith.index_cast %add3A_621 : i32 to index
          %get3A_629 = arith.constant 0 : index
          %get3A_630 = tpu.vector_load %arg7[%get3A_628, %get3A_629] {strides = array<i32>} : memref<256x128xf32, #tpu.memory_space<vmem>>, vector<1x16xf32>,
          %get3A_631 = vector.shape_cast %get3A_630 : vector<1x16xf32> to vector<16xf32>
          %mul3A_632 = arith.mulf %get3A_627, %get3A_631 : vector<16xf32>
          %add3A_633 = arith.addf %add3A_583, %mul3A_632 : vector<16xf32>
          %add3A_634 = arith.constant 17 : i32
          %add3A_635 = arith.addi %add3A_419, %add3A_634 : i32
          %get3A_636 = arith.index_cast %add3A_635 : i32 to index
          %get3A_637 = arith.index_cast %multiple_of3A_423 : i32 to index
          %get3A_638 = tpu.vector_load %arg7[%get3A_636, %get3A_637] {strides = array<i32>} : memref<256x128xf32, #tpu.memory_space<vmem>>, vector<1x16xf32>,
          %get3A_639 = vector.shape_cast %get3A_638 : vector<1x16xf32> to vector<16xf32>
          %get3A_640 = arith.index_cast %add3A_621 : i32 to index
          %get3A_641 = arith.constant 16 : index
          %get3A_642 = tpu.vector_load %arg7[%get3A_640, %get3A_641] {strides = array<i32>} : memref<256x128xf32, #tpu.memory_space<vmem>>, vector<1x16xf32>,
          %get3A_643 = vector.shape_cast %get3A_642 : vector<1x16xf32> to vector<16xf32>
          %mul3A_644 = arith.mulf %get3A_639, %get3A_643 : vector<16xf32>
          %add3A_645 = arith.addf %add3A_595, %mul3A_644 : vector<16xf32>
          %add3A_646 = arith.constant 18 : i32
          %add3A_647 = arith.addi %add3A_419, %add3A_646 : i32
          %get3A_648 = arith.index_cast %add3A_647 : i32 to index
          %get3A_649 = arith.index_cast %multiple_of3A_423 : i32 to index
          %get3A_650 = tpu.vector_load %arg7[%get3A_648, %get3A_649] {strides = array<i32>} : memref<256x128xf32, #tpu.memory_space<vmem>>, vector<1x16xf32>,
          %get3A_651 = vector.shape_cast %get3A_650 : vector<1x16xf32> to vector<16xf32>
          %get3A_652 = arith.index_cast %add3A_621 : i32 to index
          %get3A_653 = arith.constant 32 : index
          %get3A_654 = tpu.vector_load %arg7[%get3A_652, %get3A_653] {strides = array<i32>} : memref<256x128xf32, #tpu.memory_space<vmem>>, vector<1x16xf32>,
          %get3A_655 = vector.shape_cast %get3A_654 : vector<1x16xf32> to vector<16xf32>
          %mul3A_656 = arith.mulf %get3A_651, %get3A_655 : vector<16xf32>
          %add3A_657 = arith.addf %add3A_607, %mul3A_656 : vector<16xf32>
          %add3A_658 = arith.constant 19 : i32
          %add3A_659 = arith.addi %add3A_419, %add3A_658 : i32
          %get3A_660 = arith.index_cast %add3A_659 : i32 to index
          %get3A_661 = arith.index_cast %multiple_of3A_423 : i32 to index
          %get3A_662 = tpu.vector_load %arg7[%get3A_660, %get3A_661] {strides = array<i32>} : memref<256x128xf32, #tpu.memory_space<vmem>>, vector<1x16xf32>,
          %get3A_663 = vector.shape_cast %get3A_662 : vector<1x16xf32> to vector<16xf32>
          %get3A_664 = arith.index_cast %add3A_621 : i32 to index
          %get3A_665 = arith.constant 48 : index
          %get3A_666 = tpu.vector_load %arg7[%get3A_664, %get3A_665] {strides = array<i32>} : memref<256x128xf32, #tpu.memory_space<vmem>>, vector<1x16xf32>,
          %get3A_667 = vector.shape_cast %get3A_666 : vector<1x16xf32> to vector<16xf32>
          %mul3A_668 = arith.mulf %get3A_663, %get3A_667 : vector<16xf32>
          %add3A_669 = arith.addf %add3A_619, %mul3A_668 : vector<16xf32>
          %add3A_670 = arith.constant 20 : i32
          %add3A_671 = arith.addi %add3A_419, %add3A_670 : i32
          %get3A_672 = arith.index_cast %add3A_671 : i32 to index
          %get3A_673 = arith.index_cast %multiple_of3A_423 : i32 to index
          %get3A_674 = tpu.vector_load %arg7[%get3A_672, %get3A_673] {strides = array<i32>} : memref<256x128xf32, #tpu.memory_space<vmem>>, vector<1x16xf32>,
          %get3A_675 = vector.shape_cast %get3A_674 : vector<1x16xf32> to vector<16xf32>
          %get3A_676 = arith.index_cast %add3A_621 : i32 to index
          %get3A_677 = arith.constant 64 : index
          %get3A_678 = tpu.vector_load %arg7[%get3A_676, %get3A_677] {strides = array<i32>} : memref<256x128xf32, #tpu.memory_space<vmem>>, vector<1x16xf32>,
          %get3A_679 = vector.shape_cast %get3A_678 : vector<1x16xf32> to vector<16xf32>
          %mul3A_680 = arith.mulf %get3A_675, %get3A_679 : vector<16xf32>
          %add3A_681 = arith.addf %add3A_633, %mul3A_680 : vector<16xf32>
          %add3A_682 = arith.constant 21 : i32
          %add3A_683 = arith.addi %add3A_419, %add3A_682 : i32
          %get3A_684 = arith.index_cast %add3A_683 : i32 to index
          %get3A_685 = arith.index_cast %multiple_of3A_423 : i32 to index
          %get3A_686 = tpu.vector_load %arg7[%get3A_684, %get3A_685] {strides = array<i32>} : memref<256x128xf32, #tpu.memory_space<vmem>>, vector<1x16xf32>,
          %get3A_687 = vector.shape_cast %get3A_686 : vector<1x16xf32> to vector<16xf32>
          %get3A_688 = arith.index_cast %add3A_621 : i32 to index
          %get3A_689 = arith.constant 80 : index
          %get3A_690 = tpu.vector_load %arg7[%get3A_688, %get3A_689] {strides = array<i32>} : memref<256x128xf32, #tpu.memory_space<vmem>>, vector<1x16xf32>,
          %get3A_691 = vector.shape_cast %get3A_690 : vector<1x16xf32> to vector<16xf32>
          %mul3A_692 = arith.mulf %get3A_687, %get3A_691 : vector<16xf32>
          %add3A_693 = arith.addf %add3A_645, %mul3A_692 : vector<16xf32>
          %add3A_694 = arith.constant 22 : i32
          %add3A_695 = arith.addi %add3A_419, %add3A_694 : i32
          %get3A_696 = arith.index_cast %add3A_695 : i32 to index
          %get3A_697 = arith.index_cast %multiple_of3A_423 : i32 to index
          %get3A_698 = tpu.vector_load %arg7[%get3A_696, %get3A_697] {strides = array<i32>} : memref<256x128xf32, #tpu.memory_space<vmem>>, vector<1x16xf32>,
          %get3A_699 = vector.shape_cast %get3A_698 : vector<1x16xf32> to vector<16xf32>
          %get3A_700 = arith.index_cast %add3A_621 : i32 to index
          %get3A_701 = arith.constant 96 : index
          %get3A_702 = tpu.vector_load %arg7[%get3A_700, %get3A_701] {strides = array<i32>} : memref<256x128xf32, #tpu.memory_space<vmem>>, vector<1x16xf32>,
          %get3A_703 = vector.shape_cast %get3A_702 : vector<1x16xf32> to vector<16xf32>
          %mul3A_704 = arith.mulf %get3A_699, %get3A_703 : vector<16xf32>
          %add3A_705 = arith.addf %add3A_657, %mul3A_704 : vector<16xf32>
          %add3A_706 = arith.constant 23 : i32
          %add3A_707 = arith.addi %add3A_419, %add3A_706 : i32
          %get3A_708 = arith.index_cast %add3A_707 : i32 to index
          %get3A_709 = arith.index_cast %multiple_of3A_423 : i32 to index
          %get3A_710 = tpu.vector_load %arg7[%get3A_708, %get3A_709] {strides = array<i32>} : memref<256x128xf32, #tpu.memory_space<vmem>>, vector<1x16xf32>,
          %get3A_711 = vector.shape_cast %get3A_710 : vector<1x16xf32> to vector<16xf32>
          %get3A_712 = arith.index_cast %add3A_621 : i32 to index
          %get3A_713 = arith.constant 112 : index
          %get3A_714 = tpu.vector_load %arg7[%get3A_712, %get3A_713] {strides = array<i32>} : memref<256x128xf32, #tpu.memory_space<vmem>>, vector<1x16xf32>,
          %get3A_715 = vector.shape_cast %get3A_714 : vector<1x16xf32> to vector<16xf32>
          %mul3A_716 = arith.mulf %get3A_711, %get3A_715 : vector<16xf32>
          %add3A_717 = arith.addf %add3A_669, %mul3A_716 : vector<16xf32>
          %add3A_718 = arith.constant 96 : i32
          %add3A_719 = arith.addi %add3A_718, %scan3A_409 : i32
          %add3A_720 = arith.constant 24 : i32
          %add3A_721 = arith.addi %add3A_419, %add3A_720 : i32
          %get3A_722 = arith.index_cast %add3A_721 : i32 to index
          %get3A_723 = arith.index_cast %multiple_of3A_423 : i32 to index
          %get3A_724 = tpu.vector_load %arg7[%get3A_722, %get3A_723] {strides = array<i32>} : memref<256x128xf32, #tpu.memory_space<vmem>>, vector<1x16xf32>,
          %get3A_725 = vector.shape_cast %get3A_724 : vector<1x16xf32> to vector<16xf32>
          %get3A_726 = arith.index_cast %add3A_719 : i32 to index
          %get3A_727 = arith.constant 0 : index
          %get3A_728 = tpu.vector_load %arg7[%get3A_726, %get3A_727] {strides = array<i32>} : memref<256x128xf32, #tpu.memory_space<vmem>>, vector<1x16xf32>,
          %get3A_729 = vector.shape_cast %get3A_728 : vector<1x16xf32> to vector<16xf32>
          %mul3A_730 = arith.mulf %get3A_725, %get3A_729 : vector<16xf32>
          %add3A_731 = arith.addf %add3A_681, %mul3A_730 : vector<16xf32>
          %add3A_732 = arith.constant 25 : i32
          %add3A_733 = arith.addi %add3A_419, %add3A_732 : i32
          %get3A_734 = arith.index_cast %add3A_733 : i32 to index
          %get3A_735 = arith.index_cast %multiple_of3A_423 : i32 to index
          %get3A_736 = tpu.vector_load %arg7[%get3A_734, %get3A_735] {strides = array<i32>} : memref<256x128xf32, #tpu.memory_space<vmem>>, vector<1x16xf32>,
          %get3A_737 = vector.shape_cast %get3A_736 : vector<1x16xf32> to vector<16xf32>
          %get3A_738 = arith.index_cast %add3A_719 : i32 to index
          %get3A_739 = arith.constant 16 : index
          %get3A_740 = tpu.vector_load %arg7[%get3A_738, %get3A_739] {strides = array<i32>} : memref<256x128xf32, #tpu.memory_space<vmem>>, vector<1x16xf32>,
          %get3A_741 = vector.shape_cast %get3A_740 : vector<1x16xf32> to vector<16xf32>
          %mul3A_742 = arith.mulf %get3A_737, %get3A_741 : vector<16xf32>
          %add3A_743 = arith.addf %add3A_693, %mul3A_742 : vector<16xf32>
          %add3A_744 = arith.addi %add3A_419, %scan3A_409 : i32
          %get3A_745 = arith.index_cast %add3A_744 : i32 to index
          %get3A_746 = arith.index_cast %multiple_of3A_423 : i32 to index
          %get3A_747 = tpu.vector_load %arg7[%get3A_745, %get3A_746] {strides = array<i32>} : memref<256x128xf32, #tpu.memory_space<vmem>>, vector<1x16xf32>,
          %get3A_748 = vector.shape_cast %get3A_747 : vector<1x16xf32> to vector<16xf32>
          %mul3A_749 = arith.mulf %get3A_748, %get3A_748 : vector<16xf32>
          %add3A_750 = arith.addf %scan3A_414, %mul3A_749 : vector<16xf32>
          scf.yield %add3A_731, %add3A_743, %add3A_705, %add3A_717, %add3A_750 : vector<16xf32>, vector<16xf32>, vector<16xf32>, vector<16xf32>, vector<16xf32>
        }
        %scan3A_231 = arith.constant 26 : i32
        %add3A_232 = arith.addf %scan3A_230#0, %scan3A_230#1 : vector<16xf32>
        %add3A_233 = arith.addf %scan3A_230#2, %scan3A_230#3 : vector<16xf32>
        %add3A_234 = arith.addf %add3A_232, %add3A_233 : vector<16xf32>
        %sub3A_235 = arith.subf %add3A_234, %scan3A_230#4 : vector<16xf32>
        %mul3A_236 = arith.constant 5.000000e-01 : f32
        %mul3A_237 = vector.broadcast %mul3A_236 : f32 to vector<16xf32>
        %mul3A_238 = arith.mulf %sub3A_235, %mul3A_237 : vector<16xf32>
        %scan3A_239 = arith.constant 0 : i32
        %scan3A_240 = arith.constant 26 : i32
        %scan3A_241 = arith.addi %scan3A_239, %scan3A_240 : i32
        %scan3A_242 = arith.constant 1 : i32
        %scan3A_243 = scf.for %scan3A_409 = %scan3A_239 to %scan3A_241 step %scan3A_242 iter_args(%scan3A_410 = %mul3A_238) -> (vector<16xf32>)  : i32 {
          %add3A_411 = arith.constant 96 : i32
          %add3A_412 = arith.addi %add3A_411, %scan3A_409 : i32
          %get3A_413 = arith.index_cast %add3A_412 : i32 to index
          %get3A_414 = arith.constant 32 : index
          %get3A_415 = tpu.vector_load %arg7[%get3A_413, %get3A_414] {strides = array<i32>} : memref<256x128xf32, #tpu.memory_space<vmem>>, vector<1x16xf32>,
          %get3A_416 = vector.shape_cast %get3A_415 : vector<1x16xf32> to vector<16xf32>
          %add3A_417 = arith.addf %scan3A_410, %get3A_416 : vector<16xf32>
          scf.yield %add3A_417 : vector<16xf32>
        }
        %scan3A_244 = arith.constant 26 : i32
        %get3A_245 = arith.constant 96 : i32
        %get3A_246 = arith.index_cast %get3A_245 : i32 to index
        %get3A_247 = arith.constant 48 : index
        %get3A_248 = tpu.vector_load %arg7[%get3A_246, %get3A_247] {strides = array<i32>} : memref<256x128xf32, #tpu.memory_space<vmem>>, vector<1x16xf32>,
        %get3A_249 = vector.shape_cast %get3A_248 : vector<1x16xf32> to vector<16xf32>
        %add3A_250 = arith.addf %scan3A_243, %get3A_249 : vector<16xf32>
        %iota3A_251 = tpu.iota {dimensions = array<i32: 0>} : vector<16xi32>
        %xor3A = arith.constant 8 : i32
        %xor3A_252 = vector.broadcast %xor3A : i32 to vector<16xi32>
        %xor3A_253 = arith.xori %iota3A_251, %xor3A_252 : vector<16xi32>
        %lt3A_254 = arith.constant 0 : i32
        %lt3A_255 = vector.broadcast %lt3A_254 : i32 to vector<16xi32>
        %lt3A_256 = arith.cmpi slt, %xor3A_253, %lt3A_255 : vector<16xi32>
        %add3A_257 = arith.constant 16 : i32
        %add3A_258 = vector.broadcast %add3A_257 : i32 to vector<16xi32>
        %add3A_259 = arith.addi %xor3A_253, %add3A_258 : vector<16xi32>
        %select_n3A_260 = arith.select %lt3A_256, %add3A_259, %xor3A_253 : vector<16xi1>, vector<16xi32>
        %broadcast_in_dim3A_261 = vector.shape_cast %select_n3A_260 : vector<16xi32> to vector<16x1xi32>
        %gather3A = vector.shape_cast %broadcast_in_dim3A_261 : vector<16x1xi32> to vector<16xi32>
        %gather3A_262 = tpu.dynamic_gather %add3A_250[%gather3A] in [0] : vector<16xf32>, vector<16xi32> -> vector<16xf32>
        %add3A_263 = arith.addf %add3A_250, %gather3A_262 : vector<16xf32>
        %iota3A_264 = tpu.iota {dimensions = array<i32: 0>} : vector<16xi32>
        %xor3A_265 = arith.constant 4 : i32
        %xor3A_266 = vector.broadcast %xor3A_265 : i32 to vector<16xi32>
        %xor3A_267 = arith.xori %iota3A_264, %xor3A_266 : vector<16xi32>
        %lt3A_268 = arith.constant 0 : i32
        %lt3A_269 = vector.broadcast %lt3A_268 : i32 to vector<16xi32>
        %lt3A_270 = arith.cmpi slt, %xor3A_267, %lt3A_269 : vector<16xi32>
        %add3A_271 = arith.constant 16 : i32
        %add3A_272 = vector.broadcast %add3A_271 : i32 to vector<16xi32>
        %add3A_273 = arith.addi %xor3A_267, %add3A_272 : vector<16xi32>
        %select_n3A_274 = arith.select %lt3A_270, %add3A_273, %xor3A_267 : vector<16xi1>, vector<16xi32>
        %broadcast_in_dim3A_275 = vector.shape_cast %select_n3A_274 : vector<16xi32> to vector<16x1xi32>
        %gather3A_276 = vector.shape_cast %broadcast_in_dim3A_275 : vector<16x1xi32> to vector<16xi32>
        %gather3A_277 = tpu.dynamic_gather %add3A_263[%gather3A_276] in [0] : vector<16xf32>, vector<16xi32> -> vector<16xf32>
        %add3A_278 = arith.addf %add3A_263, %gather3A_277 : vector<16xf32>
        %iota3A_279 = tpu.iota {dimensions = array<i32: 0>} : vector<16xi32>
        %xor3A_280 = arith.constant 2 : i32
        %xor3A_281 = vector.broadcast %xor3A_280 : i32 to vector<16xi32>
        %xor3A_282 = arith.xori %iota3A_279, %xor3A_281 : vector<16xi32>
        %lt3A_283 = arith.constant 0 : i32
        %lt3A_284 = vector.broadcast %lt3A_283 : i32 to vector<16xi32>
        %lt3A_285 = arith.cmpi slt, %xor3A_282, %lt3A_284 : vector<16xi32>
        %add3A_286 = arith.constant 16 : i32
        %add3A_287 = vector.broadcast %add3A_286 : i32 to vector<16xi32>
        %add3A_288 = arith.addi %xor3A_282, %add3A_287 : vector<16xi32>
        %select_n3A_289 = arith.select %lt3A_285, %add3A_288, %xor3A_282 : vector<16xi1>, vector<16xi32>
        %broadcast_in_dim3A_290 = vector.shape_cast %select_n3A_289 : vector<16xi32> to vector<16x1xi32>
        %gather3A_291 = vector.shape_cast %broadcast_in_dim3A_290 : vector<16x1xi32> to vector<16xi32>
        %gather3A_292 = tpu.dynamic_gather %add3A_278[%gather3A_291] in [0] : vector<16xf32>, vector<16xi32> -> vector<16xf32>
        %add3A_293 = arith.addf %add3A_278, %gather3A_292 : vector<16xf32>
        %iota3A_294 = tpu.iota {dimensions = array<i32: 0>} : vector<16xi32>
        %xor3A_295 = arith.constant 1 : i32
        %xor3A_296 = vector.broadcast %xor3A_295 : i32 to vector<16xi32>
        %xor3A_297 = arith.xori %iota3A_294, %xor3A_296 : vector<16xi32>
        %lt3A_298 = arith.constant 0 : i32
        %lt3A_299 = vector.broadcast %lt3A_298 : i32 to vector<16xi32>
        %lt3A_300 = arith.cmpi slt, %xor3A_297, %lt3A_299 : vector<16xi32>
        %add3A_301 = arith.constant 16 : i32
        %add3A_302 = vector.broadcast %add3A_301 : i32 to vector<16xi32>
        %add3A_303 = arith.addi %xor3A_297, %add3A_302 : vector<16xi32>
        %select_n3A_304 = arith.select %lt3A_300, %add3A_303, %xor3A_297 : vector<16xi1>, vector<16xi32>
        %broadcast_in_dim3A_305 = vector.shape_cast %select_n3A_304 : vector<16xi32> to vector<16x1xi32>
        %gather3A_306 = vector.shape_cast %broadcast_in_dim3A_305 : vector<16x1xi32> to vector<16xi32>
        %gather3A_307 = tpu.dynamic_gather %add3A_293[%gather3A_306] in [0] : vector<16xf32>, vector<16xi32> -> vector<16xf32>
        %add3A_308 = arith.addf %add3A_293, %gather3A_307 : vector<16xf32>
        %mul3A_309 = arith.constant 2 : i32
        %mul3A_310 = arith.muli %scan3A_44, %mul3A_309 : i32
        %add3A_311 = arith.constant 0 : i32
        %add3A_312 = arith.addi %mul3A_310, %add3A_311 : i32
        %eq3A = vector.broadcast %add3A_312 : i32 to vector<16xi32>
        %eq3A_313 = arith.cmpi eq, %iota3A, %eq3A : vector<16xi32>
        %select_n3A_314 = arith.select %eq3A_313, %add3A_308, %scan3A_45 : vector<16xi1>, vector<16xf32>
        %broadcast_in_dim3A_315 = arith.constant 0.000000e+00 : f32
        %broadcast_in_dim3A_316 = vector.broadcast %broadcast_in_dim3A_315 : f32 to vector<16xf32>
        %scan3A_317 = arith.constant 0 : i32
        %scan3A_318 = arith.constant 26 : i32
        %scan3A_319 = arith.addi %scan3A_317, %scan3A_318 : i32
        %scan3A_320 = arith.constant 1 : i32
        %scan3A_321:5 = scf.for %scan3A_409 = %scan3A_317 to %scan3A_319 step %scan3A_320 iter_args(%scan3A_410 = %broadcast_in_dim3A_316, %scan3A_411 = %broadcast_in_dim3A_316, %scan3A_412 = %broadcast_in_dim3A_316, %scan3A_413 = %broadcast_in_dim3A_316, %scan3A_414 = %broadcast_in_dim3A_316) -> (vector<16xf32>, vector<16xf32>, vector<16xf32>, vector<16xf32>, vector<16xf32>)  : i32 {
          %shift_right_arithmetic3A = arith.constant 3 : i32
          %shift_right_arithmetic3A_415 = arith.shrsi %scan3A_409, %shift_right_arithmetic3A : i32
          %mul3A_416 = arith.constant 32 : i32
          %mul3A_417 = arith.muli %shift_right_arithmetic3A_415, %mul3A_416 : i32
          %add3A_418 = arith.constant 128 : i32
          %add3A_419 = arith.addi %add3A_418, %mul3A_417 : i32
          %and3A = arith.constant 7 : i32
          %and3A_420 = arith.andi %scan3A_409, %and3A : i32
          %mul3A_421 = arith.constant 16 : i32
          %mul3A_422 = arith.muli %and3A_420, %mul3A_421 : i32
          %multiple_of3A_423 = tpu.assume_multiple %mul3A_422, 16 : i32
          %add3A_424 = arith.constant 128 : i32
          %add3A_425 = arith.addi %add3A_424, %scan3A_409 : i32
          %add3A_426 = arith.constant 0 : i32
          %add3A_427 = arith.addi %add3A_419, %add3A_426 : i32
          %get3A_428 = arith.index_cast %add3A_427 : i32 to index
          %get3A_429 = arith.index_cast %multiple_of3A_423 : i32 to index
          %get3A_430 = tpu.vector_load %arg7[%get3A_428, %get3A_429] {strides = array<i32>} : memref<256x128xf32, #tpu.memory_space<vmem>>, vector<1x16xf32>,
          %get3A_431 = vector.shape_cast %get3A_430 : vector<1x16xf32> to vector<16xf32>
          %get3A_432 = arith.index_cast %add3A_425 : i32 to index
          %get3A_433 = arith.constant 0 : index
          %get3A_434 = tpu.vector_load %arg7[%get3A_432, %get3A_433] {strides = array<i32>} : memref<256x128xf32, #tpu.memory_space<vmem>>, vector<1x16xf32>,
          %get3A_435 = vector.shape_cast %get3A_434 : vector<1x16xf32> to vector<16xf32>
          %mul3A_436 = arith.mulf %get3A_431, %get3A_435 : vector<16xf32>
          %add3A_437 = arith.addf %scan3A_410, %mul3A_436 : vector<16xf32>
          %add3A_438 = arith.constant 1 : i32
          %add3A_439 = arith.addi %add3A_419, %add3A_438 : i32
          %get3A_440 = arith.index_cast %add3A_439 : i32 to index
          %get3A_441 = arith.index_cast %multiple_of3A_423 : i32 to index
          %get3A_442 = tpu.vector_load %arg7[%get3A_440, %get3A_441] {strides = array<i32>} : memref<256x128xf32, #tpu.memory_space<vmem>>, vector<1x16xf32>,
          %get3A_443 = vector.shape_cast %get3A_442 : vector<1x16xf32> to vector<16xf32>
          %get3A_444 = arith.index_cast %add3A_425 : i32 to index
          %get3A_445 = arith.constant 16 : index
          %get3A_446 = tpu.vector_load %arg7[%get3A_444, %get3A_445] {strides = array<i32>} : memref<256x128xf32, #tpu.memory_space<vmem>>, vector<1x16xf32>,
          %get3A_447 = vector.shape_cast %get3A_446 : vector<1x16xf32> to vector<16xf32>
          %mul3A_448 = arith.mulf %get3A_443, %get3A_447 : vector<16xf32>
          %add3A_449 = arith.addf %scan3A_411, %mul3A_448 : vector<16xf32>
          %add3A_450 = arith.constant 2 : i32
          %add3A_451 = arith.addi %add3A_419, %add3A_450 : i32
          %get3A_452 = arith.index_cast %add3A_451 : i32 to index
          %get3A_453 = arith.index_cast %multiple_of3A_423 : i32 to index
          %get3A_454 = tpu.vector_load %arg7[%get3A_452, %get3A_453] {strides = array<i32>} : memref<256x128xf32, #tpu.memory_space<vmem>>, vector<1x16xf32>,
          %get3A_455 = vector.shape_cast %get3A_454 : vector<1x16xf32> to vector<16xf32>
          %get3A_456 = arith.index_cast %add3A_425 : i32 to index
          %get3A_457 = arith.constant 32 : index
          %get3A_458 = tpu.vector_load %arg7[%get3A_456, %get3A_457] {strides = array<i32>} : memref<256x128xf32, #tpu.memory_space<vmem>>, vector<1x16xf32>,
          %get3A_459 = vector.shape_cast %get3A_458 : vector<1x16xf32> to vector<16xf32>
          %mul3A_460 = arith.mulf %get3A_455, %get3A_459 : vector<16xf32>
          %add3A_461 = arith.addf %scan3A_412, %mul3A_460 : vector<16xf32>
          %add3A_462 = arith.constant 3 : i32
          %add3A_463 = arith.addi %add3A_419, %add3A_462 : i32
          %get3A_464 = arith.index_cast %add3A_463 : i32 to index
          %get3A_465 = arith.index_cast %multiple_of3A_423 : i32 to index
          %get3A_466 = tpu.vector_load %arg7[%get3A_464, %get3A_465] {strides = array<i32>} : memref<256x128xf32, #tpu.memory_space<vmem>>, vector<1x16xf32>,
          %get3A_467 = vector.shape_cast %get3A_466 : vector<1x16xf32> to vector<16xf32>
          %get3A_468 = arith.index_cast %add3A_425 : i32 to index
          %get3A_469 = arith.constant 48 : index
          %get3A_470 = tpu.vector_load %arg7[%get3A_468, %get3A_469] {strides = array<i32>} : memref<256x128xf32, #tpu.memory_space<vmem>>, vector<1x16xf32>,
          %get3A_471 = vector.shape_cast %get3A_470 : vector<1x16xf32> to vector<16xf32>
          %mul3A_472 = arith.mulf %get3A_467, %get3A_471 : vector<16xf32>
          %add3A_473 = arith.addf %scan3A_413, %mul3A_472 : vector<16xf32>
          %add3A_474 = arith.constant 4 : i32
          %add3A_475 = arith.addi %add3A_419, %add3A_474 : i32
          %get3A_476 = arith.index_cast %add3A_475 : i32 to index
          %get3A_477 = arith.index_cast %multiple_of3A_423 : i32 to index
          %get3A_478 = tpu.vector_load %arg7[%get3A_476, %get3A_477] {strides = array<i32>} : memref<256x128xf32, #tpu.memory_space<vmem>>, vector<1x16xf32>,
          %get3A_479 = vector.shape_cast %get3A_478 : vector<1x16xf32> to vector<16xf32>
          %get3A_480 = arith.index_cast %add3A_425 : i32 to index
          %get3A_481 = arith.constant 64 : index
          %get3A_482 = tpu.vector_load %arg7[%get3A_480, %get3A_481] {strides = array<i32>} : memref<256x128xf32, #tpu.memory_space<vmem>>, vector<1x16xf32>,
          %get3A_483 = vector.shape_cast %get3A_482 : vector<1x16xf32> to vector<16xf32>
          %mul3A_484 = arith.mulf %get3A_479, %get3A_483 : vector<16xf32>
          %add3A_485 = arith.addf %add3A_437, %mul3A_484 : vector<16xf32>
          %add3A_486 = arith.constant 5 : i32
          %add3A_487 = arith.addi %add3A_419, %add3A_486 : i32
          %get3A_488 = arith.index_cast %add3A_487 : i32 to index
          %get3A_489 = arith.index_cast %multiple_of3A_423 : i32 to index
          %get3A_490 = tpu.vector_load %arg7[%get3A_488, %get3A_489] {strides = array<i32>} : memref<256x128xf32, #tpu.memory_space<vmem>>, vector<1x16xf32>,
          %get3A_491 = vector.shape_cast %get3A_490 : vector<1x16xf32> to vector<16xf32>
          %get3A_492 = arith.index_cast %add3A_425 : i32 to index
          %get3A_493 = arith.constant 80 : index
          %get3A_494 = tpu.vector_load %arg7[%get3A_492, %get3A_493] {strides = array<i32>} : memref<256x128xf32, #tpu.memory_space<vmem>>, vector<1x16xf32>,
          %get3A_495 = vector.shape_cast %get3A_494 : vector<1x16xf32> to vector<16xf32>
          %mul3A_496 = arith.mulf %get3A_491, %get3A_495 : vector<16xf32>
          %add3A_497 = arith.addf %add3A_449, %mul3A_496 : vector<16xf32>
          %add3A_498 = arith.constant 6 : i32
          %add3A_499 = arith.addi %add3A_419, %add3A_498 : i32
          %get3A_500 = arith.index_cast %add3A_499 : i32 to index
          %get3A_501 = arith.index_cast %multiple_of3A_423 : i32 to index
          %get3A_502 = tpu.vector_load %arg7[%get3A_500, %get3A_501] {strides = array<i32>} : memref<256x128xf32, #tpu.memory_space<vmem>>, vector<1x16xf32>,
          %get3A_503 = vector.shape_cast %get3A_502 : vector<1x16xf32> to vector<16xf32>
          %get3A_504 = arith.index_cast %add3A_425 : i32 to index
          %get3A_505 = arith.constant 96 : index
          %get3A_506 = tpu.vector_load %arg7[%get3A_504, %get3A_505] {strides = array<i32>} : memref<256x128xf32, #tpu.memory_space<vmem>>, vector<1x16xf32>,
          %get3A_507 = vector.shape_cast %get3A_506 : vector<1x16xf32> to vector<16xf32>
          %mul3A_508 = arith.mulf %get3A_503, %get3A_507 : vector<16xf32>
          %add3A_509 = arith.addf %add3A_461, %mul3A_508 : vector<16xf32>
          %add3A_510 = arith.constant 7 : i32
          %add3A_511 = arith.addi %add3A_419, %add3A_510 : i32
          %get3A_512 = arith.index_cast %add3A_511 : i32 to index
          %get3A_513 = arith.index_cast %multiple_of3A_423 : i32 to index
          %get3A_514 = tpu.vector_load %arg7[%get3A_512, %get3A_513] {strides = array<i32>} : memref<256x128xf32, #tpu.memory_space<vmem>>, vector<1x16xf32>,
          %get3A_515 = vector.shape_cast %get3A_514 : vector<1x16xf32> to vector<16xf32>
          %get3A_516 = arith.index_cast %add3A_425 : i32 to index
          %get3A_517 = arith.constant 112 : index
          %get3A_518 = tpu.vector_load %arg7[%get3A_516, %get3A_517] {strides = array<i32>} : memref<256x128xf32, #tpu.memory_space<vmem>>, vector<1x16xf32>,
          %get3A_519 = vector.shape_cast %get3A_518 : vector<1x16xf32> to vector<16xf32>
          %mul3A_520 = arith.mulf %get3A_515, %get3A_519 : vector<16xf32>
          %add3A_521 = arith.addf %add3A_473, %mul3A_520 : vector<16xf32>
          %add3A_522 = arith.constant 160 : i32
          %add3A_523 = arith.addi %add3A_522, %scan3A_409 : i32
          %add3A_524 = arith.constant 8 : i32
          %add3A_525 = arith.addi %add3A_419, %add3A_524 : i32
          %get3A_526 = arith.index_cast %add3A_525 : i32 to index
          %get3A_527 = arith.index_cast %multiple_of3A_423 : i32 to index
          %get3A_528 = tpu.vector_load %arg7[%get3A_526, %get3A_527] {strides = array<i32>} : memref<256x128xf32, #tpu.memory_space<vmem>>, vector<1x16xf32>,
          %get3A_529 = vector.shape_cast %get3A_528 : vector<1x16xf32> to vector<16xf32>
          %get3A_530 = arith.index_cast %add3A_523 : i32 to index
          %get3A_531 = arith.constant 0 : index
          %get3A_532 = tpu.vector_load %arg7[%get3A_530, %get3A_531] {strides = array<i32>} : memref<256x128xf32, #tpu.memory_space<vmem>>, vector<1x16xf32>,
          %get3A_533 = vector.shape_cast %get3A_532 : vector<1x16xf32> to vector<16xf32>
          %mul3A_534 = arith.mulf %get3A_529, %get3A_533 : vector<16xf32>
          %add3A_535 = arith.addf %add3A_485, %mul3A_534 : vector<16xf32>
          %add3A_536 = arith.constant 9 : i32
          %add3A_537 = arith.addi %add3A_419, %add3A_536 : i32
          %get3A_538 = arith.index_cast %add3A_537 : i32 to index
          %get3A_539 = arith.index_cast %multiple_of3A_423 : i32 to index
          %get3A_540 = tpu.vector_load %arg7[%get3A_538, %get3A_539] {strides = array<i32>} : memref<256x128xf32, #tpu.memory_space<vmem>>, vector<1x16xf32>,
          %get3A_541 = vector.shape_cast %get3A_540 : vector<1x16xf32> to vector<16xf32>
          %get3A_542 = arith.index_cast %add3A_523 : i32 to index
          %get3A_543 = arith.constant 16 : index
          %get3A_544 = tpu.vector_load %arg7[%get3A_542, %get3A_543] {strides = array<i32>} : memref<256x128xf32, #tpu.memory_space<vmem>>, vector<1x16xf32>,
          %get3A_545 = vector.shape_cast %get3A_544 : vector<1x16xf32> to vector<16xf32>
          %mul3A_546 = arith.mulf %get3A_541, %get3A_545 : vector<16xf32>
          %add3A_547 = arith.addf %add3A_497, %mul3A_546 : vector<16xf32>
          %add3A_548 = arith.constant 10 : i32
          %add3A_549 = arith.addi %add3A_419, %add3A_548 : i32
          %get3A_550 = arith.index_cast %add3A_549 : i32 to index
          %get3A_551 = arith.index_cast %multiple_of3A_423 : i32 to index
          %get3A_552 = tpu.vector_load %arg7[%get3A_550, %get3A_551] {strides = array<i32>} : memref<256x128xf32, #tpu.memory_space<vmem>>, vector<1x16xf32>,
          %get3A_553 = vector.shape_cast %get3A_552 : vector<1x16xf32> to vector<16xf32>
          %get3A_554 = arith.index_cast %add3A_523 : i32 to index
          %get3A_555 = arith.constant 32 : index
          %get3A_556 = tpu.vector_load %arg7[%get3A_554, %get3A_555] {strides = array<i32>} : memref<256x128xf32, #tpu.memory_space<vmem>>, vector<1x16xf32>,
          %get3A_557 = vector.shape_cast %get3A_556 : vector<1x16xf32> to vector<16xf32>
          %mul3A_558 = arith.mulf %get3A_553, %get3A_557 : vector<16xf32>
          %add3A_559 = arith.addf %add3A_509, %mul3A_558 : vector<16xf32>
          %add3A_560 = arith.constant 11 : i32
          %add3A_561 = arith.addi %add3A_419, %add3A_560 : i32
          %get3A_562 = arith.index_cast %add3A_561 : i32 to index
          %get3A_563 = arith.index_cast %multiple_of3A_423 : i32 to index
          %get3A_564 = tpu.vector_load %arg7[%get3A_562, %get3A_563] {strides = array<i32>} : memref<256x128xf32, #tpu.memory_space<vmem>>, vector<1x16xf32>,
          %get3A_565 = vector.shape_cast %get3A_564 : vector<1x16xf32> to vector<16xf32>
          %get3A_566 = arith.index_cast %add3A_523 : i32 to index
          %get3A_567 = arith.constant 48 : index
          %get3A_568 = tpu.vector_load %arg7[%get3A_566, %get3A_567] {strides = array<i32>} : memref<256x128xf32, #tpu.memory_space<vmem>>, vector<1x16xf32>,
          %get3A_569 = vector.shape_cast %get3A_568 : vector<1x16xf32> to vector<16xf32>
          %mul3A_570 = arith.mulf %get3A_565, %get3A_569 : vector<16xf32>
          %add3A_571 = arith.addf %add3A_521, %mul3A_570 : vector<16xf32>
          %add3A_572 = arith.constant 12 : i32
          %add3A_573 = arith.addi %add3A_419, %add3A_572 : i32
          %get3A_574 = arith.index_cast %add3A_573 : i32 to index
          %get3A_575 = arith.index_cast %multiple_of3A_423 : i32 to index
          %get3A_576 = tpu.vector_load %arg7[%get3A_574, %get3A_575] {strides = array<i32>} : memref<256x128xf32, #tpu.memory_space<vmem>>, vector<1x16xf32>,
          %get3A_577 = vector.shape_cast %get3A_576 : vector<1x16xf32> to vector<16xf32>
          %get3A_578 = arith.index_cast %add3A_523 : i32 to index
          %get3A_579 = arith.constant 64 : index
          %get3A_580 = tpu.vector_load %arg7[%get3A_578, %get3A_579] {strides = array<i32>} : memref<256x128xf32, #tpu.memory_space<vmem>>, vector<1x16xf32>,
          %get3A_581 = vector.shape_cast %get3A_580 : vector<1x16xf32> to vector<16xf32>
          %mul3A_582 = arith.mulf %get3A_577, %get3A_581 : vector<16xf32>
          %add3A_583 = arith.addf %add3A_535, %mul3A_582 : vector<16xf32>
          %add3A_584 = arith.constant 13 : i32
          %add3A_585 = arith.addi %add3A_419, %add3A_584 : i32
          %get3A_586 = arith.index_cast %add3A_585 : i32 to index
          %get3A_587 = arith.index_cast %multiple_of3A_423 : i32 to index
          %get3A_588 = tpu.vector_load %arg7[%get3A_586, %get3A_587] {strides = array<i32>} : memref<256x128xf32, #tpu.memory_space<vmem>>, vector<1x16xf32>,
          %get3A_589 = vector.shape_cast %get3A_588 : vector<1x16xf32> to vector<16xf32>
          %get3A_590 = arith.index_cast %add3A_523 : i32 to index
          %get3A_591 = arith.constant 80 : index
          %get3A_592 = tpu.vector_load %arg7[%get3A_590, %get3A_591] {strides = array<i32>} : memref<256x128xf32, #tpu.memory_space<vmem>>, vector<1x16xf32>,
          %get3A_593 = vector.shape_cast %get3A_592 : vector<1x16xf32> to vector<16xf32>
          %mul3A_594 = arith.mulf %get3A_589, %get3A_593 : vector<16xf32>
          %add3A_595 = arith.addf %add3A_547, %mul3A_594 : vector<16xf32>
          %add3A_596 = arith.constant 14 : i32
          %add3A_597 = arith.addi %add3A_419, %add3A_596 : i32
          %get3A_598 = arith.index_cast %add3A_597 : i32 to index
          %get3A_599 = arith.index_cast %multiple_of3A_423 : i32 to index
          %get3A_600 = tpu.vector_load %arg7[%get3A_598, %get3A_599] {strides = array<i32>} : memref<256x128xf32, #tpu.memory_space<vmem>>, vector<1x16xf32>,
          %get3A_601 = vector.shape_cast %get3A_600 : vector<1x16xf32> to vector<16xf32>
          %get3A_602 = arith.index_cast %add3A_523 : i32 to index
          %get3A_603 = arith.constant 96 : index
          %get3A_604 = tpu.vector_load %arg7[%get3A_602, %get3A_603] {strides = array<i32>} : memref<256x128xf32, #tpu.memory_space<vmem>>, vector<1x16xf32>,
          %get3A_605 = vector.shape_cast %get3A_604 : vector<1x16xf32> to vector<16xf32>
          %mul3A_606 = arith.mulf %get3A_601, %get3A_605 : vector<16xf32>
          %add3A_607 = arith.addf %add3A_559, %mul3A_606 : vector<16xf32>
          %add3A_608 = arith.constant 15 : i32
          %add3A_609 = arith.addi %add3A_419, %add3A_608 : i32
          %get3A_610 = arith.index_cast %add3A_609 : i32 to index
          %get3A_611 = arith.index_cast %multiple_of3A_423 : i32 to index
          %get3A_612 = tpu.vector_load %arg7[%get3A_610, %get3A_611] {strides = array<i32>} : memref<256x128xf32, #tpu.memory_space<vmem>>, vector<1x16xf32>,
          %get3A_613 = vector.shape_cast %get3A_612 : vector<1x16xf32> to vector<16xf32>
          %get3A_614 = arith.index_cast %add3A_523 : i32 to index
          %get3A_615 = arith.constant 112 : index
          %get3A_616 = tpu.vector_load %arg7[%get3A_614, %get3A_615] {strides = array<i32>} : memref<256x128xf32, #tpu.memory_space<vmem>>, vector<1x16xf32>,
          %get3A_617 = vector.shape_cast %get3A_616 : vector<1x16xf32> to vector<16xf32>
          %mul3A_618 = arith.mulf %get3A_613, %get3A_617 : vector<16xf32>
          %add3A_619 = arith.addf %add3A_571, %mul3A_618 : vector<16xf32>
          %add3A_620 = arith.constant 192 : i32
          %add3A_621 = arith.addi %add3A_620, %scan3A_409 : i32
          %add3A_622 = arith.constant 16 : i32
          %add3A_623 = arith.addi %add3A_419, %add3A_622 : i32
          %get3A_624 = arith.index_cast %add3A_623 : i32 to index
          %get3A_625 = arith.index_cast %multiple_of3A_423 : i32 to index
          %get3A_626 = tpu.vector_load %arg7[%get3A_624, %get3A_625] {strides = array<i32>} : memref<256x128xf32, #tpu.memory_space<vmem>>, vector<1x16xf32>,
          %get3A_627 = vector.shape_cast %get3A_626 : vector<1x16xf32> to vector<16xf32>
          %get3A_628 = arith.index_cast %add3A_621 : i32 to index
          %get3A_629 = arith.constant 0 : index
          %get3A_630 = tpu.vector_load %arg7[%get3A_628, %get3A_629] {strides = array<i32>} : memref<256x128xf32, #tpu.memory_space<vmem>>, vector<1x16xf32>,
          %get3A_631 = vector.shape_cast %get3A_630 : vector<1x16xf32> to vector<16xf32>
          %mul3A_632 = arith.mulf %get3A_627, %get3A_631 : vector<16xf32>
          %add3A_633 = arith.addf %add3A_583, %mul3A_632 : vector<16xf32>
          %add3A_634 = arith.constant 17 : i32
          %add3A_635 = arith.addi %add3A_419, %add3A_634 : i32
          %get3A_636 = arith.index_cast %add3A_635 : i32 to index
          %get3A_637 = arith.index_cast %multiple_of3A_423 : i32 to index
          %get3A_638 = tpu.vector_load %arg7[%get3A_636, %get3A_637] {strides = array<i32>} : memref<256x128xf32, #tpu.memory_space<vmem>>, vector<1x16xf32>,
          %get3A_639 = vector.shape_cast %get3A_638 : vector<1x16xf32> to vector<16xf32>
          %get3A_640 = arith.index_cast %add3A_621 : i32 to index
          %get3A_641 = arith.constant 16 : index
          %get3A_642 = tpu.vector_load %arg7[%get3A_640, %get3A_641] {strides = array<i32>} : memref<256x128xf32, #tpu.memory_space<vmem>>, vector<1x16xf32>,
          %get3A_643 = vector.shape_cast %get3A_642 : vector<1x16xf32> to vector<16xf32>
          %mul3A_644 = arith.mulf %get3A_639, %get3A_643 : vector<16xf32>
          %add3A_645 = arith.addf %add3A_595, %mul3A_644 : vector<16xf32>
          %add3A_646 = arith.constant 18 : i32
          %add3A_647 = arith.addi %add3A_419, %add3A_646 : i32
          %get3A_648 = arith.index_cast %add3A_647 : i32 to index
          %get3A_649 = arith.index_cast %multiple_of3A_423 : i32 to index
          %get3A_650 = tpu.vector_load %arg7[%get3A_648, %get3A_649] {strides = array<i32>} : memref<256x128xf32, #tpu.memory_space<vmem>>, vector<1x16xf32>,
          %get3A_651 = vector.shape_cast %get3A_650 : vector<1x16xf32> to vector<16xf32>
          %get3A_652 = arith.index_cast %add3A_621 : i32 to index
          %get3A_653 = arith.constant 32 : index
          %get3A_654 = tpu.vector_load %arg7[%get3A_652, %get3A_653] {strides = array<i32>} : memref<256x128xf32, #tpu.memory_space<vmem>>, vector<1x16xf32>,
          %get3A_655 = vector.shape_cast %get3A_654 : vector<1x16xf32> to vector<16xf32>
          %mul3A_656 = arith.mulf %get3A_651, %get3A_655 : vector<16xf32>
          %add3A_657 = arith.addf %add3A_607, %mul3A_656 : vector<16xf32>
          %add3A_658 = arith.constant 19 : i32
          %add3A_659 = arith.addi %add3A_419, %add3A_658 : i32
          %get3A_660 = arith.index_cast %add3A_659 : i32 to index
          %get3A_661 = arith.index_cast %multiple_of3A_423 : i32 to index
          %get3A_662 = tpu.vector_load %arg7[%get3A_660, %get3A_661] {strides = array<i32>} : memref<256x128xf32, #tpu.memory_space<vmem>>, vector<1x16xf32>,
          %get3A_663 = vector.shape_cast %get3A_662 : vector<1x16xf32> to vector<16xf32>
          %get3A_664 = arith.index_cast %add3A_621 : i32 to index
          %get3A_665 = arith.constant 48 : index
          %get3A_666 = tpu.vector_load %arg7[%get3A_664, %get3A_665] {strides = array<i32>} : memref<256x128xf32, #tpu.memory_space<vmem>>, vector<1x16xf32>,
          %get3A_667 = vector.shape_cast %get3A_666 : vector<1x16xf32> to vector<16xf32>
          %mul3A_668 = arith.mulf %get3A_663, %get3A_667 : vector<16xf32>
          %add3A_669 = arith.addf %add3A_619, %mul3A_668 : vector<16xf32>
          %add3A_670 = arith.constant 20 : i32
          %add3A_671 = arith.addi %add3A_419, %add3A_670 : i32
          %get3A_672 = arith.index_cast %add3A_671 : i32 to index
          %get3A_673 = arith.index_cast %multiple_of3A_423 : i32 to index
          %get3A_674 = tpu.vector_load %arg7[%get3A_672, %get3A_673] {strides = array<i32>} : memref<256x128xf32, #tpu.memory_space<vmem>>, vector<1x16xf32>,
          %get3A_675 = vector.shape_cast %get3A_674 : vector<1x16xf32> to vector<16xf32>
          %get3A_676 = arith.index_cast %add3A_621 : i32 to index
          %get3A_677 = arith.constant 64 : index
          %get3A_678 = tpu.vector_load %arg7[%get3A_676, %get3A_677] {strides = array<i32>} : memref<256x128xf32, #tpu.memory_space<vmem>>, vector<1x16xf32>,
          %get3A_679 = vector.shape_cast %get3A_678 : vector<1x16xf32> to vector<16xf32>
          %mul3A_680 = arith.mulf %get3A_675, %get3A_679 : vector<16xf32>
          %add3A_681 = arith.addf %add3A_633, %mul3A_680 : vector<16xf32>
          %add3A_682 = arith.constant 21 : i32
          %add3A_683 = arith.addi %add3A_419, %add3A_682 : i32
          %get3A_684 = arith.index_cast %add3A_683 : i32 to index
          %get3A_685 = arith.index_cast %multiple_of3A_423 : i32 to index
          %get3A_686 = tpu.vector_load %arg7[%get3A_684, %get3A_685] {strides = array<i32>} : memref<256x128xf32, #tpu.memory_space<vmem>>, vector<1x16xf32>,
          %get3A_687 = vector.shape_cast %get3A_686 : vector<1x16xf32> to vector<16xf32>
          %get3A_688 = arith.index_cast %add3A_621 : i32 to index
          %get3A_689 = arith.constant 80 : index
          %get3A_690 = tpu.vector_load %arg7[%get3A_688, %get3A_689] {strides = array<i32>} : memref<256x128xf32, #tpu.memory_space<vmem>>, vector<1x16xf32>,
          %get3A_691 = vector.shape_cast %get3A_690 : vector<1x16xf32> to vector<16xf32>
          %mul3A_692 = arith.mulf %get3A_687, %get3A_691 : vector<16xf32>
          %add3A_693 = arith.addf %add3A_645, %mul3A_692 : vector<16xf32>
          %add3A_694 = arith.constant 22 : i32
          %add3A_695 = arith.addi %add3A_419, %add3A_694 : i32
          %get3A_696 = arith.index_cast %add3A_695 : i32 to index
          %get3A_697 = arith.index_cast %multiple_of3A_423 : i32 to index
          %get3A_698 = tpu.vector_load %arg7[%get3A_696, %get3A_697] {strides = array<i32>} : memref<256x128xf32, #tpu.memory_space<vmem>>, vector<1x16xf32>,
          %get3A_699 = vector.shape_cast %get3A_698 : vector<1x16xf32> to vector<16xf32>
          %get3A_700 = arith.index_cast %add3A_621 : i32 to index
          %get3A_701 = arith.constant 96 : index
          %get3A_702 = tpu.vector_load %arg7[%get3A_700, %get3A_701] {strides = array<i32>} : memref<256x128xf32, #tpu.memory_space<vmem>>, vector<1x16xf32>,
          %get3A_703 = vector.shape_cast %get3A_702 : vector<1x16xf32> to vector<16xf32>
          %mul3A_704 = arith.mulf %get3A_699, %get3A_703 : vector<16xf32>
          %add3A_705 = arith.addf %add3A_657, %mul3A_704 : vector<16xf32>
          %add3A_706 = arith.constant 23 : i32
          %add3A_707 = arith.addi %add3A_419, %add3A_706 : i32
          %get3A_708 = arith.index_cast %add3A_707 : i32 to index
          %get3A_709 = arith.index_cast %multiple_of3A_423 : i32 to index
          %get3A_710 = tpu.vector_load %arg7[%get3A_708, %get3A_709] {strides = array<i32>} : memref<256x128xf32, #tpu.memory_space<vmem>>, vector<1x16xf32>,
          %get3A_711 = vector.shape_cast %get3A_710 : vector<1x16xf32> to vector<16xf32>
          %get3A_712 = arith.index_cast %add3A_621 : i32 to index
          %get3A_713 = arith.constant 112 : index
          %get3A_714 = tpu.vector_load %arg7[%get3A_712, %get3A_713] {strides = array<i32>} : memref<256x128xf32, #tpu.memory_space<vmem>>, vector<1x16xf32>,
          %get3A_715 = vector.shape_cast %get3A_714 : vector<1x16xf32> to vector<16xf32>
          %mul3A_716 = arith.mulf %get3A_711, %get3A_715 : vector<16xf32>
          %add3A_717 = arith.addf %add3A_669, %mul3A_716 : vector<16xf32>
          %add3A_718 = arith.constant 224 : i32
          %add3A_719 = arith.addi %add3A_718, %scan3A_409 : i32
          %add3A_720 = arith.constant 24 : i32
          %add3A_721 = arith.addi %add3A_419, %add3A_720 : i32
          %get3A_722 = arith.index_cast %add3A_721 : i32 to index
          %get3A_723 = arith.index_cast %multiple_of3A_423 : i32 to index
          %get3A_724 = tpu.vector_load %arg7[%get3A_722, %get3A_723] {strides = array<i32>} : memref<256x128xf32, #tpu.memory_space<vmem>>, vector<1x16xf32>,
          %get3A_725 = vector.shape_cast %get3A_724 : vector<1x16xf32> to vector<16xf32>
          %get3A_726 = arith.index_cast %add3A_719 : i32 to index
          %get3A_727 = arith.constant 0 : index
          %get3A_728 = tpu.vector_load %arg7[%get3A_726, %get3A_727] {strides = array<i32>} : memref<256x128xf32, #tpu.memory_space<vmem>>, vector<1x16xf32>,
          %get3A_729 = vector.shape_cast %get3A_728 : vector<1x16xf32> to vector<16xf32>
          %mul3A_730 = arith.mulf %get3A_725, %get3A_729 : vector<16xf32>
          %add3A_731 = arith.addf %add3A_681, %mul3A_730 : vector<16xf32>
          %add3A_732 = arith.constant 25 : i32
          %add3A_733 = arith.addi %add3A_419, %add3A_732 : i32
          %get3A_734 = arith.index_cast %add3A_733 : i32 to index
          %get3A_735 = arith.index_cast %multiple_of3A_423 : i32 to index
          %get3A_736 = tpu.vector_load %arg7[%get3A_734, %get3A_735] {strides = array<i32>} : memref<256x128xf32, #tpu.memory_space<vmem>>, vector<1x16xf32>,
          %get3A_737 = vector.shape_cast %get3A_736 : vector<1x16xf32> to vector<16xf32>
          %get3A_738 = arith.index_cast %add3A_719 : i32 to index
          %get3A_739 = arith.constant 16 : index
          %get3A_740 = tpu.vector_load %arg7[%get3A_738, %get3A_739] {strides = array<i32>} : memref<256x128xf32, #tpu.memory_space<vmem>>, vector<1x16xf32>,
          %get3A_741 = vector.shape_cast %get3A_740 : vector<1x16xf32> to vector<16xf32>
          %mul3A_742 = arith.mulf %get3A_737, %get3A_741 : vector<16xf32>
          %add3A_743 = arith.addf %add3A_693, %mul3A_742 : vector<16xf32>
          %add3A_744 = arith.addi %add3A_419, %scan3A_409 : i32
          %get3A_745 = arith.index_cast %add3A_744 : i32 to index
          %get3A_746 = arith.index_cast %multiple_of3A_423 : i32 to index
          %get3A_747 = tpu.vector_load %arg7[%get3A_745, %get3A_746] {strides = array<i32>} : memref<256x128xf32, #tpu.memory_space<vmem>>, vector<1x16xf32>,
          %get3A_748 = vector.shape_cast %get3A_747 : vector<1x16xf32> to vector<16xf32>
          %mul3A_749 = arith.mulf %get3A_748, %get3A_748 : vector<16xf32>
          %add3A_750 = arith.addf %scan3A_414, %mul3A_749 : vector<16xf32>
          scf.yield %add3A_731, %add3A_743, %add3A_705, %add3A_717, %add3A_750 : vector<16xf32>, vector<16xf32>, vector<16xf32>, vector<16xf32>, vector<16xf32>
        }
        %scan3A_322 = arith.constant 26 : i32
        %add3A_323 = arith.addf %scan3A_321#0, %scan3A_321#1 : vector<16xf32>
        %add3A_324 = arith.addf %scan3A_321#2, %scan3A_321#3 : vector<16xf32>
        %add3A_325 = arith.addf %add3A_323, %add3A_324 : vector<16xf32>
        %sub3A_326 = arith.subf %add3A_325, %scan3A_321#4 : vector<16xf32>
        %mul3A_327 = arith.constant 5.000000e-01 : f32
        %mul3A_328 = vector.broadcast %mul3A_327 : f32 to vector<16xf32>
        %mul3A_329 = arith.mulf %sub3A_326, %mul3A_328 : vector<16xf32>
        %scan3A_330 = arith.constant 0 : i32
        %scan3A_331 = arith.constant 26 : i32
        %scan3A_332 = arith.addi %scan3A_330, %scan3A_331 : i32
        %scan3A_333 = arith.constant 1 : i32
        %scan3A_334 = scf.for %scan3A_409 = %scan3A_330 to %scan3A_332 step %scan3A_333 iter_args(%scan3A_410 = %mul3A_329) -> (vector<16xf32>)  : i32 {
          %add3A_411 = arith.constant 224 : i32
          %add3A_412 = arith.addi %add3A_411, %scan3A_409 : i32
          %get3A_413 = arith.index_cast %add3A_412 : i32 to index
          %get3A_414 = arith.constant 32 : index
          %get3A_415 = tpu.vector_load %arg7[%get3A_413, %get3A_414] {strides = array<i32>} : memref<256x128xf32, #tpu.memory_space<vmem>>, vector<1x16xf32>,
          %get3A_416 = vector.shape_cast %get3A_415 : vector<1x16xf32> to vector<16xf32>
          %add3A_417 = arith.addf %scan3A_410, %get3A_416 : vector<16xf32>
          scf.yield %add3A_417 : vector<16xf32>
        }
        %scan3A_335 = arith.constant 26 : i32
        %get3A_336 = arith.constant 224 : i32
        %get3A_337 = arith.index_cast %get3A_336 : i32 to index
        %get3A_338 = arith.constant 48 : index
        %get3A_339 = tpu.vector_load %arg7[%get3A_337, %get3A_338] {strides = array<i32>} : memref<256x128xf32, #tpu.memory_space<vmem>>, vector<1x16xf32>,
        %get3A_340 = vector.shape_cast %get3A_339 : vector<1x16xf32> to vector<16xf32>
        %add3A_341 = arith.addf %scan3A_334, %get3A_340 : vector<16xf32>
        %iota3A_342 = tpu.iota {dimensions = array<i32: 0>} : vector<16xi32>
        %xor3A_343 = arith.constant 8 : i32
        %xor3A_344 = vector.broadcast %xor3A_343 : i32 to vector<16xi32>
        %xor3A_345 = arith.xori %iota3A_342, %xor3A_344 : vector<16xi32>
        %lt3A_346 = arith.constant 0 : i32
        %lt3A_347 = vector.broadcast %lt3A_346 : i32 to vector<16xi32>
        %lt3A_348 = arith.cmpi slt, %xor3A_345, %lt3A_347 : vector<16xi32>
        %add3A_349 = arith.constant 16 : i32
        %add3A_350 = vector.broadcast %add3A_349 : i32 to vector<16xi32>
        %add3A_351 = arith.addi %xor3A_345, %add3A_350 : vector<16xi32>
        %select_n3A_352 = arith.select %lt3A_348, %add3A_351, %xor3A_345 : vector<16xi1>, vector<16xi32>
        %broadcast_in_dim3A_353 = vector.shape_cast %select_n3A_352 : vector<16xi32> to vector<16x1xi32>
        %gather3A_354 = vector.shape_cast %broadcast_in_dim3A_353 : vector<16x1xi32> to vector<16xi32>
        %gather3A_355 = tpu.dynamic_gather %add3A_341[%gather3A_354] in [0] : vector<16xf32>, vector<16xi32> -> vector<16xf32>
        %add3A_356 = arith.addf %add3A_341, %gather3A_355 : vector<16xf32>
        %iota3A_357 = tpu.iota {dimensions = array<i32: 0>} : vector<16xi32>
        %xor3A_358 = arith.constant 4 : i32
        %xor3A_359 = vector.broadcast %xor3A_358 : i32 to vector<16xi32>
        %xor3A_360 = arith.xori %iota3A_357, %xor3A_359 : vector<16xi32>
        %lt3A_361 = arith.constant 0 : i32
        %lt3A_362 = vector.broadcast %lt3A_361 : i32 to vector<16xi32>
        %lt3A_363 = arith.cmpi slt, %xor3A_360, %lt3A_362 : vector<16xi32>
        %add3A_364 = arith.constant 16 : i32
        %add3A_365 = vector.broadcast %add3A_364 : i32 to vector<16xi32>
        %add3A_366 = arith.addi %xor3A_360, %add3A_365 : vector<16xi32>
        %select_n3A_367 = arith.select %lt3A_363, %add3A_366, %xor3A_360 : vector<16xi1>, vector<16xi32>
        %broadcast_in_dim3A_368 = vector.shape_cast %select_n3A_367 : vector<16xi32> to vector<16x1xi32>
        %gather3A_369 = vector.shape_cast %broadcast_in_dim3A_368 : vector<16x1xi32> to vector<16xi32>
        %gather3A_370 = tpu.dynamic_gather %add3A_356[%gather3A_369] in [0] : vector<16xf32>, vector<16xi32> -> vector<16xf32>
        %add3A_371 = arith.addf %add3A_356, %gather3A_370 : vector<16xf32>
        %iota3A_372 = tpu.iota {dimensions = array<i32: 0>} : vector<16xi32>
        %xor3A_373 = arith.constant 2 : i32
        %xor3A_374 = vector.broadcast %xor3A_373 : i32 to vector<16xi32>
        %xor3A_375 = arith.xori %iota3A_372, %xor3A_374 : vector<16xi32>
        %lt3A_376 = arith.constant 0 : i32
        %lt3A_377 = vector.broadcast %lt3A_376 : i32 to vector<16xi32>
        %lt3A_378 = arith.cmpi slt, %xor3A_375, %lt3A_377 : vector<16xi32>
        %add3A_379 = arith.constant 16 : i32
        %add3A_380 = vector.broadcast %add3A_379 : i32 to vector<16xi32>
        %add3A_381 = arith.addi %xor3A_375, %add3A_380 : vector<16xi32>
        %select_n3A_382 = arith.select %lt3A_378, %add3A_381, %xor3A_375 : vector<16xi1>, vector<16xi32>
        %broadcast_in_dim3A_383 = vector.shape_cast %select_n3A_382 : vector<16xi32> to vector<16x1xi32>
        %gather3A_384 = vector.shape_cast %broadcast_in_dim3A_383 : vector<16x1xi32> to vector<16xi32>
        %gather3A_385 = tpu.dynamic_gather %add3A_371[%gather3A_384] in [0] : vector<16xf32>, vector<16xi32> -> vector<16xf32>
        %add3A_386 = arith.addf %add3A_371, %gather3A_385 : vector<16xf32>
        %iota3A_387 = tpu.iota {dimensions = array<i32: 0>} : vector<16xi32>
        %xor3A_388 = arith.constant 1 : i32
        %xor3A_389 = vector.broadcast %xor3A_388 : i32 to vector<16xi32>
        %xor3A_390 = arith.xori %iota3A_387, %xor3A_389 : vector<16xi32>
        %lt3A_391 = arith.constant 0 : i32
        %lt3A_392 = vector.broadcast %lt3A_391 : i32 to vector<16xi32>
        %lt3A_393 = arith.cmpi slt, %xor3A_390, %lt3A_392 : vector<16xi32>
        %add3A_394 = arith.constant 16 : i32
        %add3A_395 = vector.broadcast %add3A_394 : i32 to vector<16xi32>
        %add3A_396 = arith.addi %xor3A_390, %add3A_395 : vector<16xi32>
        %select_n3A_397 = arith.select %lt3A_393, %add3A_396, %xor3A_390 : vector<16xi1>, vector<16xi32>
        %broadcast_in_dim3A_398 = vector.shape_cast %select_n3A_397 : vector<16xi32> to vector<16x1xi32>
        %gather3A_399 = vector.shape_cast %broadcast_in_dim3A_398 : vector<16x1xi32> to vector<16xi32>
        %gather3A_400 = tpu.dynamic_gather %add3A_386[%gather3A_399] in [0] : vector<16xf32>, vector<16xi32> -> vector<16xf32>
        %add3A_401 = arith.addf %add3A_386, %gather3A_400 : vector<16xf32>
        %mul3A_402 = arith.constant 2 : i32
        %mul3A_403 = arith.muli %scan3A_44, %mul3A_402 : i32
        %add3A_404 = arith.constant 1 : i32
        %add3A_405 = arith.addi %mul3A_403, %add3A_404 : i32
        %eq3A_406 = vector.broadcast %add3A_405 : i32 to vector<16xi32>
        %eq3A_407 = arith.cmpi eq, %iota3A, %eq3A_406 : vector<16xi32>
        %select_n3A_408 = arith.select %eq3A_407, %add3A_401, %select_n3A_314 : vector<16xi1>, vector<16xf32>
        scf.yield %select_n3A_408 : vector<16xf32>
      }
      %scan3A_31 = arith.constant 8 : i32
      %neg3A = arith.constant 0.000000e+00 : f32
      %neg3A_32 = vector.broadcast %neg3A : f32 to vector<16xf32>
      %neg3A_33 = arith.subf %neg3A_32, %scan3A_30 : vector<16xf32>
      %exp3A = math.exp %neg3A_33 : vector<16xf32>
      %add3A_34 = arith.constant 1.000000e+00 : f32
      %add3A_35 = vector.broadcast %add3A_34 : f32 to vector<16xf32>
      %add3A_36 = arith.addf %add3A_35, %exp3A : vector<16xf32>
      %div3A = arith.constant 1.000000e+00 : f32
      %div3A_37 = vector.broadcast %div3A : f32 to vector<16xf32>
      %div3A_38 = arith.divf %div3A_37, %add3A_36 : vector<16xf32>
      %mul3A_39 = arith.constant 16 : i32
      %mul3A_40 = arith.muli %scan3A_24, %mul3A_39 : i32
      %multiple_of3A = tpu.assume_multiple %mul3A_40, 16 : i32
      %swap3A = arith.index_cast %multiple_of3A : i32 to index
      %swap3A_41 = tpu.vector_load %arg8[%swap3A] {strides = array<i32>} : memref<128xf32, #tpu.memory_space<vmem>>, vector<16xf32>,
      %swap3A_42 = vector.shape_cast %swap3A_41 : vector<16xf32> to vector<16xf32>
      %swap3A_43 = vector.shape_cast %div3A_38 : vector<16xf32> to vector<16xf32>
      tpu.vector_store %arg8[%swap3A], %swap3A_43 {strides = array<i32>} : memref<128xf32, #tpu.memory_space<vmem>>, vector<16xf32>,
    }
    %scan3A_23 = arith.constant 8 : i32
    "tpu.region"() ({
      %run_scoped3A = tpu.sem_alloc : memref<!tpu.dma_semaphore, #tpu.memory_space<semaphore_mem>>
      %dma_start3A = tpu.memref_slice %arg4[%mul3A_2] : memref<4096xf32, #tpu.memory_space<hbm>> -> memref<128xf32, #tpu.memory_space<hbm>>
      %dma_start3A_24 = tpu.memref_slice %arg4[%mul3A_2] : memref<4096xf32, #tpu.memory_space<hbm>> -> memref<128xf32, #tpu.memory_space<hbm>>
      tpu.enqueue_dma source(%arg8 : memref<128xf32, #tpu.memory_space<vmem>>) target(%dma_start3A_24 : memref<128xf32, #tpu.memory_space<hbm>>) target_semaphore(%run_scoped3A : memref<!tpu.dma_semaphore, #tpu.memory_space<semaphore_mem>>)
      %dma_wait3A = tpu.memref_slice %arg4[%mul3A_2] : memref<4096xf32, #tpu.memory_space<hbm>> -> memref<128xf32, #tpu.memory_space<hbm>>
      %dma_wait3A_25 = tpu.memref_slice %arg4[%mul3A_2] : memref<4096xf32, #tpu.memory_space<hbm>> -> memref<128xf32, #tpu.memory_space<hbm>>
      tpu.wait_dma2 semaphore(%run_scoped3A : memref<!tpu.dma_semaphore, #tpu.memory_space<semaphore_mem>>) src(%arg8 : memref<128xf32, #tpu.memory_space<vmem>>) dst(%dma_wait3A_25 : memref<128xf32, #tpu.memory_space<hbm>>)
      tpu.yield
    }) : () -> ()
    return
  }
}

</mosaic_0001>

<sc_bundles>
// kernel: kernel.3.cloned.1.call-start
scs
__scs_entry_jumppad:
0x0: {  	(pc) =	sbr.rel $0x88, $3  }
0x1: {  	(tag) =	ssettag $0x0;
	lr =	simm.s32 $0x1  }
0x2: {  	[smem:$0x3F9D] =	sst lr;
	_ =	strace $0xD0000000  }
0x3: {  	_ = 	snop  }
0x4: {  	_ = 	snop  }
0x5: {  	_ = 	snop  }
0x6: {  	_ = 	snop  }
0x7: {  	_ = 	snop  }
__scs_overlays_trampoline_lowered:
0x8: {  	[smem:$0x3FAC] =	sst s0  }
0x9: {  	[smem:$0x3FAD] =	sst s1  }
0xa: {  	[smem:$0x3FAE] =	sst s2  }
0xb: {  	[smem:$0x3FAF] =	sst s3  }
0xc: {  	[smem:$0x3FB0] =	sst s4  }
0xd: {  	[smem:$0x3FB1] =	sst s5  }
0xe: {  	[smem:$0x3FB2] =	sst s6  }
0xf: {  	[smem:$0x3FB3] =	sst s7  }
0x10: {  	[smem:$0x3FB4] =	sst s8  }
0x11: {  	[smem:$0x3FB5] =	sst s9;
	s0 =	simm.s32 @!p0 $0x0  }
0x12: {  	s1 =	sld [smem:$0x3F9B];
	s0 =	simm.s32 @p0 $0x1  }
0x13: {  	[smem:$0x3FB6] =	sst s0;
	s0 =	simm.s32 @!p1 $0x0  }
0x14: {  	s2 =	sld [smem:$0x3F9A];
	s0 =	simm.s32 @p1 $0x1  }
0x15: {  	[smem:$0x3FB7] =	sst s0;
	s0 =	simm.s32 @!p2 $0x0  }
0x16: {  	s3 =	sld [smem:$0x3FDB];
	s0 =	simm.s32 @p2 $0x1  }
0x17: {  	s4 =	simm.s32 $0x1BF5;
	[smem:$0x3FB9] =	sst s0  }
0x18: {  	s0 =	sld [smem:$0x3F9C];
	_ =	swait.ge [sflag:s4], $0x0  }
0x19: {  	s7 =	sld [smem:$0x3F9D]  }
0x1a: {  	s8 =	sadd.s32 $0xFFFFE003, lr  }
0x1b: {  	s9 =	sadd.s32 $0xFFFFFEF7, lr;
	s5 =	simm.s32 $0xFFFFFFFF;
	p2 =	slt.u32 s8, $0xFFFFF086  }
0x1c: {  	p1 =	slt.u32 s9, $0xF7A;
	s5 =	simm.s32 @!p2 $0x0  }
0x1d: {  	s5 =	simm.s32 @p1 $0x1;
	p0 =	seq.s32 s7, s2  }
0x1e: {  	s7 =	smul.u32 @!p0 $0xF7A, s2;
	p2 =	seq.s32 @!p0 s5, $0x0  }
0x1f: {  	s9 =	smul.u32 $0xF7A, s1;
	s8 =	simm.s32 @!p0 $0x1BF5;
	p2 =	por !p2, p0  }
0x20: {  	[sflag:s8] =	ssyncset.s32 @!p0 $0xFFFFF086;
	s6 =	sadd.s32 @!p0 s3, s7;
	s7 =	simm.s32 @!p0 $0x108  }
0x21: {  	s3 =	sadd.s32 s3, s9;
	s6 =	sadd.s32 @!p0 $0x88, s6;
	s7 =	simm.s32 @p2 $0x1082  }
0x22: {  	[simem:s7], [sflag:s8] =	dma.local @!p0 [hbm:s6], $0xF7A  }
0x23: {  	s9 =	sor.u32 $0xD0000000, s2;
	s6 =	simm.s32 $0x108;
	_ =	swait.ge @!p0 [sflag:s8], $0x0  }
0x24: {  	s3 =	sadd.s32 $0x88, s3;
	s6 =	simm.s32 @!p1 $0x1082;
	[sflag:s4] =	ssyncset.s32 $0xFFFFF086  }
0x25: {  	[simem:s6], [sflag:s4] =	dma.local [hbm:s3], $0xF7A  }
0x26: {  	[smem:$0x3F9D] =	sst s1;
	(tag) =	ssettag s2;
	_ =	strace s9  }
0x27: {  	s1 =	sld [smem:$0x3FAD]  }
0x28: {  	s2 =	sld [smem:$0x3FAE]  }
0x29: {  	s4 =	sld [smem:$0x3FB0]  }
0x2a: {  	p0 =	seq.s32 s5, $0x0;
	s5 =	sld [smem:$0x3FB1]  }
0x2b: {  	s6 =	sld [smem:$0x3FB2]  }
0x2c: {  	s7 =	sld [smem:$0x3FB3]  }
0x2d: {  	s3 =	simm.s32 $0x108;
	s8 =	sld [smem:$0x3FB4]  }
0x2e: {  	s3 =	simm.s32 @!p0 $0x1082;
	s9 =	sld [smem:$0x3FB5]  }
0x2f: {  	lr =	sadd.s32 s0, s3;
	s0 =	sld [smem:$0x3FAC]  }
0x30: {  	s3 =	sld [smem:$0x3FAF]  }
0x31: {  	[smem:$0x3FB8] =	sst s10  }
0x32: {  	s10 =	sld [smem:$0x3FB6];
	_ =	sdelay $0x3  }
0x33: {  	p0 =	seq.s32 s10, $0x1;
	s10 =	sld [smem:$0x3FB8];
	_ =	sdelay $0x3  }
0x34: {  	[smem:$0x3FB8] =	sst s10  }
0x35: {  	s10 =	sld [smem:$0x3FB7];
	_ =	sdelay $0x3  }
0x36: {  	p1 =	seq.s32 s10, $0x1;
	s10 =	sld [smem:$0x3FB8];
	_ =	sdelay $0x3  }
0x37: {  	[smem:$0x3FB8] =	sst s10  }
0x38: {  	s10 =	sld [smem:$0x3FB9]  }
0x39: {  	_ = 	snop;
	(pc) =	sbr.ind lr, $3  }
0x3a: {  	_ = 	snop  }
0x3b: {  	_ = 	snop  }
0x3c: {  	p2 =	seq.s32 s10, $0x1;
	s10 =	sld [smem:$0x3FB8]  }
0x3d: {  	_ =	shalt  }
0x3e: {  	_ =	shalt  }
0x3f: {  	_ =	shalt  }
0x40: {  	_ =	shalt  }
0x41: {  	_ =	shalt  }
0x42: {  	_ =	shalt  }
0x43: {  	_ =	shalt  }
0x44: {  	_ =	shalt  }
0x45: {  	_ =	shalt  }
0x46: {  	_ =	shalt  }
0x47: {  	_ =	shalt  }
0x48: {  	_ =	shalt  }
0x49: {  	_ =	shalt  }
0x4a: {  	_ =	shalt  }
0x4b: {  	_ =	shalt  }
0x4c: {  	_ =	shalt  }
0x4d: {  	_ =	shalt  }
0x4e: {  	_ =	shalt  }
0x4f: {  	_ =	shalt  }
0x50: {  	_ =	shalt  }
0x51: {  	_ =	shalt  }
0x52: {  	_ =	shalt  }
0x53: {  	_ =	shalt  }
0x54: {  	_ =	shalt  }
0x55: {  	_ =	shalt  }
0x56: {  	_ =	shalt  }
0x57: {  	_ =	shalt  }
0x58: {  	_ =	shalt  }
0x59: {  	_ =	shalt  }
0x5a: {  	_ =	shalt  }
0x5b: {  	_ =	shalt  }
0x5c: {  	_ =	shalt  }
0x5d: {  	_ =	shalt  }
0x5e: {  	_ =	shalt  }
0x5f: {  	_ =	shalt  }
0x60: {  	_ =	shalt  }
0x61: {  	_ =	shalt  }
0x62: {  	_ =	shalt  }
0x63: {  	_ =	shalt  }
0x64: {  	_ =	shalt  }
0x65: {  	_ =	shalt  }
0x66: {  	_ =	shalt  }
0x67: {  	_ =	shalt  }
0x68: {  	_ =	shalt  }
0x69: {  	_ =	shalt  }
0x6a: {  	_ =	shalt  }
0x6b: {  	_ =	shalt  }
0x6c: {  	_ =	shalt  }
0x6d: {  	_ =	shalt  }
0x6e: {  	_ =	shalt  }
0x6f: {  	_ =	shalt  }
0x70: {  	_ =	shalt  }
0x71: {  	_ =	shalt  }
0x72: {  	_ =	shalt  }
0x73: {  	_ =	shalt  }
0x74: {  	_ =	shalt  }
0x75: {  	_ =	shalt  }
0x76: {  	_ =	shalt  }
0x77: {  	_ =	shalt  }
0x78: {  	_ =	shalt  }
0x79: {  	_ =	shalt  }
0x7a: {  	_ =	shalt  }
0x7b: {  	_ =	shalt  }
0x7c: {  	_ =	shalt  }
0x7d: {  	_ =	shalt  }
0x7e: {  	_ =	shalt  }
0x7f: {  	_ =	shalt  }
0x80: {  	_ =	shalt  }
0x81: {  	_ =	shalt  }
0x82: {  	_ =	shalt  }
0x83: {  	_ =	shalt  }
0x84: {  	_ =	shalt  }
0x85: {  	_ =	shalt  }
0x86: {  	_ =	shalt  }
0x87: {  	_ =	shalt  }
.Lfunc_end0:
.L_simem_size_0:
called_computation.1_lowered:
.L_overlay_start_0:
0x88: {  	s2 =	sld [smem:$0x3FD9]  }
0x89: {  	s3 =	sld [smem:$0x3FFE];
	_ =	sdelay $0x1  }
0x8a: {  	s1 =	srdreg.scid  }
0x8b: {  	s0 =	sand.u32 $0x1, s1  }
0x8c: {  	s17 =	sshll.u32 s0, $0xA;
	s2 =	sadd.s32 s3, s2  }
0x8d: {  	s2 =	sadd.s32 s2, s17  }
0x8e: {  	[smem:$0x3FC4] =	sst s2  }
0x8f: {  	_ = 	snop  }
0x90: {  	s2 =	sld [smem:$0x3FD0];
	(tm) =	ssettm $0x1  }
0x91: {  	s18 =	sld [smem:$0x3FFB];
	_ =	sdelay $0x3  }
0x92: {  	_ =	strace s18  }
0x93: {  	s3 =	sld [smem:$0x3FFC];
	_ =	sdelay $0x3  }
0x94: {  	_ =	strace s3  }
0x95: {  	s3 =	sld [smem:$0x3FFD];
	_ =	sdelay $0x3  }
0x96: {  	_ =	strace s3  }
0x97: {  	_ =	strace $0x8FFFFFFF  }
0x98: {  	s19 =	sld [smem:$0x3FDB];
	_ =	sdelay $0x1  }
0x99: {  	s4 =	simm.s32 $_scs_section_size  }
0x9a: {  	s5 =	simm.s32 $_size__tile_overlayer_lowered;
	s6 =	simm.s32 $_tile_overlayer_lowered  }
0x9b: {  	s22 =	simm.s32 $0x1BFF;
	s21 =	sshll.u32 s6, $0x1;
	s3 =	sadd.s32 s4, s19  }
0x9c: {  	s7 =	simm.s32 $0x0;
	s20 =	sshll.u32 s5, $0x1;
	s5 =	sadd.s32 s21, s3  }
0x9d: {  	[timem:s7], [sflag:s22] =	dma.local [hbm:s5], s20  }
0x9e: {  	_ =	swait.ge [sflag:s22], s20  }
0x9f: {  	s4 =	ssub.s32 $0x0, s20;
	[sflag:s22] =	ssyncset.done $0x0  }
0xa0: {  	[sflag:s22] =	ssyncadd.s32 s4;
	_ =	sdelay $0x1  }
0xa1: {  	s23 =	simm.s32 $0x1B8B  }
0xa2: {  	_ =	swait.ge [sflag:s23], $0x1  }
0xa3: {  	[sflag:s23] =	ssyncset.done $0x0  }
0xa4: {  	s25 =	simm.s32 $0x1B8E;
	s24 =	sld [smem:$0x3FFE];
	[sflag:s23] =	ssyncadd.s32 $0xFFFFFFFF  }
0xa5: {  	s26 =	simm.s32 $execute0_lowered;
	[smem:$0x3FD2] =	sst s25  }
0xa6: {  	s5 =	sshll.u32 s26, $0x1;
	_ =	strace $0x80000049;
	[dreg:$0x1] =	wrdreg $0xFFFFFFFF  }
0xa7: {  	s28 =	simm.s32 $_size_execute0_lowered;
	s3 =	sadd.s32 s3, s5;
	[dreg:$0x0] =	wrdreg $0x0  }
0xa8: {  	s5 =	sshll.u32 s28, $0x1;
	[dreg:$0x2] =	wrdreg s3  }
0xa9: {  	[dreg:$0x3] =	wrdreg s5  }
0xaa: {  	[dreg:$0x4] =	wrdreg $0xC0  }
0xab: {  	_ =	task [dreg:s7], $0x5FFFF  }
0xac: {  	[dreg:$0x1] =	wrdreg $0xFFFFFFFF  }
0xad: {  	[dreg:$0x0] =	wrdreg $0x60  }
0xae: {  	[dreg:$0x2] =	wrdreg s24  }
0xaf: {  	[dreg:$0x3] =	wrdreg s2  }
0xb0: {  	[dreg:$0x4] =	wrdreg $0x9  }
0xb1: {  	_ =	task.clear_ibuf [dreg:s7], $0x5FFFF;
	_ =	strace $0x90000049  }
0xb2: {  	s29 =	simm.s32 $0x9;
	_ =	strace $0x8000004B  }
0xb3: {  	_ =	swait.ge [sflag:s29], $0x1  }
0xb4: {  	[sflag:s29] =	ssyncadd.s32 $0xFFFFFFFF  }
0xb5: {  	_ =	strace $0x9000004B  }
0xb6: {  	_ =	sfence  }
0xb7: {  	s30 =	sld [smem:$0x0];
	_ =	sdelay $0x2  }
0xb8: {  	s31 =	sshll.u32 s1, $0xD;
	s1 =	sshrl.u32 s1, $0x2  }
0xb9: {  	s3 =	sand.u32 $0x4000, s31;
	s1 =	sadd.s32 s1, s30  }
0xba: {  	s0 =	sor.u32 s3, s0;
	s1 =	sshll.u32 s1, $0x11  }
0xbb: {  	s0 =	sor.u32 s1, s0  }
0xbc: {  	s0 =	sadd.s32 $0x8F2B, s0  }
0xbd: {  	[sflag:s0] =	ssyncadd.remote.s32 $0x1  }
0xbe: {  	_ =	sfence.sel $0xFFFF  }
0xbf: {  	[dreg:$0x0] =	wrdreg $0xFFFFFFFF;
	(pc) =	sbr.abs _section_cstart, $3  }
0xc0: {  	[dreg:$0x1] =	wrdreg $0xFFFFFFFF  }
0xc1: {  	_ =	task.clear_ibuf [dreg:s7], $0x2FFFF;
	_ =	strace $0x9FFFFFFF  }
0xc2: {  	(tm) =	ssettm $0x7FFFFFFF  }
0xc3: {  	_ =	shalt  }
tec
execute0_lowered:
.L_overlay_start_1:
0x0: {  	(tag) =	ssettag $0x1  }
0x1: {  	v0 =	vimm.s32 $0x13880;
	vm0 =	vcmask $0x300  }
0x2: {  	vm14 =	vcmask $0x704;
	vm15 =	vcmask $0xB08;
	v0 =	vsel vm0, $0x3E800, v0  }
0x3: {  	vm4 =	vcmask $0xF0C;
	vm5 =	vcmask $0x1310;
	v0 =	vsel vm14, $0x42680, v0  }
0x4: {  	vm6 =	vcmask $0x1714;
	vm7 =	vcmask $0x1B18;
	v0 =	vsel vm15, $0x46500, v0  }
0x5: {  	vm8 =	vcmask $0x1F1C;
	vm9 =	vcmask $0x2320;
	v0 =	vsel vm4, $0x4A380, v0  }
0x6: {  	v1 =	vimm.s32 $0xFEDCBA98;
	vm10 =	vcmask $0x2724;
	v0 =	vsel vm5, $0x4E200, v0  }
0x7: {  	v2 =	vimm.s32 $0x76543210;
	vm11 =	vcmask $0x2B28;
	v0 =	vsel vm6, $0x52080, v0  }
0x8: {  	vm12 =	vcmask $0x2F2C;
	vm13 =	vcmask $0x3330;
	v0 =	vsel vm7, $0x55F00, v0  }
0x9: {  	v4 =	vimm.s32 $0xDCFE98BA;
	v5 =	vimm.s32 $0x54761032;
	v0 =	vsel vm8, $0x59D80, v0  }
0xa: {  	v6 =	vimm.s32 $0xEFCDAB89;
	v7 =	vimm.s32 $0x67452301;
	v0 =	vsel vm9, $0x5DC00, v0  }
0xb: {  	s5 =	rddreg [dreg:$0x0];
	v1 =	vunpack.c.l.s4.s8 v1;
	v2 =	vunpack.c.l.s4.s8 v2;
	v0 =	vsel vm10, $0x61A80, v0  }
0xc: {  	s6 =	rddreg [dreg:$0x1];
	v4 =	vunpack.c.l.s4.s8 v4;
	v5 =	vunpack.c.l.s4.s8 v5;
	v0 =	vsel vm11, $0x0, v0  }
0xd: {  	s0 =	simm.s32 $0x0;
	s1 =	rddreg [dreg:$0x2];
	v6 =	vunpack.c.l.s4.s8 v6;
	v1 =	vunpack.c.0.s8.s32 v1;
	v0 =	vsel vm12, $0x3E80, v0  }
0xe: {  	s3 =	srdreg.scid;
	s2 =	stileid.u32;
	s10 =	simm.s32 $0x100;
	vm14 =	vcmask $0x3734;
	v2 =	vunpack.c.0.s8.s32 v2;
	v0 =	vsel vm13, $0x7D00, v0  }
0xf: {  	s11 =	simm.s32 $0x4180;
	s12 =	simm.s32 $0x1;
	s13 =	simm.s32 $0x8180;
	v7 =	vunpack.c.l.s4.s8 v7;
	v1 =	vand.u32 $0xF, v1;
	v3 =	vsel vm14, $0xBB80, v0  }
0x10: {  	s14 =	simm.s32 $0x0;
	s18 =	simm.s32 $0x0;
	[smem:$0x7FF] =	sst s0;
	v0 =	vcombine.low v1, v2;
	v1 =	vimm.s32 $0xBA98FEDC;
	v2 =	vimm.s32 $0x32107654  }
0x11: {  	s3 =	sand.u32 $0x1, s3;
	s4 =	sshll.u32 s2, $0x8;
	_ =	strace $0x8000004A;
	vm15 =	vcmask $0x3B38;
	v1 =	vunpack.c.l.s4.s8 v1;
	v2 =	vunpack.c.l.s4.s8 v2  }
0x12: {  	s7 =	ssub.s32 $0x2, s3;
	s8 =	sshll.u32 s3, $0x7;
	s3 =	sadd.s32 $0x7F0800, s5;
	v4 =	vunpack.c.0.s8.s32 v4;
	v5 =	vunpack.c.0.s8.s32 v5;
	v6 =	vunpack.c.0.s8.s32 v6  }
0x13: {  	s5 =	sadd.s32 $0x1000, s5;
	s9 =	sshrl.u32 s7, $0x1;
	s4 =	sor.u32 s8, s4;
	v7 =	vunpack.c.0.s8.s32 v7;
	v8 =	vunpack.c.0.s8.s32 v1;
	v2 =	vunpack.c.0.s8.s32 v2  }
0x14: {  	s7 =	ssub.s32 s7, s9;
	s8 =	sshrl.u32 s4, $0x3;
	s9 =	simm.s32 $0x80;
	v4 =	vcombine.low v5, v4;
	v1 =	vsel vm15, $0xFA00, v3;
	v3 =	vlaneseq.u32  }
0x15: {  	s6 =	sadd.s32 s6, s8;
	s7 =	smax.u32 s7, $0x1;
	s8 =	simm.s32 $0x2;
	v6 =	vcombine.low v7, v6;
	v5 =	vmul.u32 $0x3E80, v3;
	v2 =	vcombine.low v2, v8  }
.LBB2_1:
0x16: {  	s15 =	simm.s32 $0x0  }
.LBB2_2:
0x17: {  	s16 =	sshll.u32 s15, $0x4  }
0x18: {  	v7 =	vimm.f32 $0.0e+00;
	s19 =	simm.s32 $0x0;
	s17 =	sadd.s32 s4, s16  }
.LBB2_3:
0x19: {  	s20 =	sshll.u32 s19, $0x1  }
0x1a: {  	s21 =	sadd.s32 s17, s20  }
0x1b: {  	s21 =	sshll.u32 s21, $0x2  }
0x1c: {  	s21 =	sadd.s32 s3, s21  }
0x1d: {  	[tilespmem:s18], [sflag:$0x2] =	stream.linear.gather [hbm4b:s21+s18], $0x40, $0x38;
	[tilespmem:$0x8200] =	vst v63  }
0x1e: {  	_ =	swait.ge [sflag:s8], $0x40  }
0x1f: {  	[sflag:s8] =	ssyncset.done $0x0  }
0x20: {  	[sflag:s8] =	ssyncadd.s32 $0xFFFFFFC0  }
0x21: {  	v8 =	vld [tilespmem:$0x0]  }
0x22: {  	v9 =	vld [tilespmem:$0x10];
	_ =	sdelay $0x3  }
0x23: {  	v8 =	vshll.u32 v8, $0x2  }
0x24: {  	v9 =	vshll.u32 v9, $0x2;
	v8 =	vadd.s32 v5, v8  }
0x25: {  	v9 =	vadd.s32 v1, v9;
	[tilespmem:$0x80] =	vst v8  }
0x26: {  	v11 =	vld [tilespmem:$0x20];
	[tilespmem:$0x90] =	vst v9;
	v10 =	vor.u32 $0x1, v8  }
0x27: {  	v12 =	vld [tilespmem:$0x30];
	[tilespmem:$0xA0] =	vst v10;
	v10 =	vor.u32 $0x1, v9  }
0x28: {  	[tilespmem:$0xB0] =	vst v10;
	v10 =	vor.u32 $0x2, v8  }
0x29: {  	v8 =	vor.u32 $0x3, v8;
	[tilespmem:$0xC0] =	vst v10  }
0x2a: {  	v10 =	vor.u32 $0x2, v9;
	[tilespmem:$0xE0] =	vst v8  }
0x2b: {  	v8 =	vor.u32 $0x3, v9;
	v9 =	vshll.u32 v11, $0x2;
	[tilespmem:$0xD0] =	vst v10  }
0x2c: {  	[tilespmem:$0xF0] =	vst v8;
	v8 =	vadd.s32 v5, v9;
	v9 =	vshll.u32 v12, $0x2  }
0x2d: {  	v9 =	vadd.s32 v1, v9;
	[tilespmem:$0x100] =	vst v8  }
0x2e: {  	v10 =	vor.u32 $0x1, v8;
	[tilespmem:$0x110] =	vst v9  }
0x2f: {  	[tilespmem:$0x120] =	vst v10;
	v10 =	vor.u32 $0x1, v9  }
0x30: {  	[tilespmem:$0x130] =	vst v10;
	v10 =	vor.u32 $0x2, v8  }
0x31: {  	v8 =	vor.u32 $0x3, v8;
	[tilespmem:$0x140] =	vst v10  }
0x32: {  	v10 =	vor.u32 $0x2, v9;
	[tilespmem:$0x160] =	vst v8  }
0x33: {  	v8 =	vor.u32 $0x3, v9;
	[tilespmem:$0x150] =	vst v10  }
0x34: {  	s21 =	simm.s32 $0x180;
	[tilespmem:$0x170] =	vst v8  }
0x35: {  	[tilespmem:s21], [sflag:$0x1] =	stream.indirect.gather [hbm4b:s5+s9], $0x80, s9, s9, $0xb8;
	[tilespmem:$0x8200] =	vst v63  }
0x36: {  	_ = 	snop  }
0x37: {  	[tilespmem:s11], [sflag:$0x1] =	stream.indirect.gather [hbm4b:s5+s9], $0x80, s10, s9, $0xb8;
	[tilespmem:$0x8200] =	vst v63  }
0x38: {  	_ =	swait.ge [sflag:s12], $0x4000  }
0x39: {  	[sflag:s12] =	ssyncset.done $0x0  }
0x3a: {  	[sflag:s12] =	ssyncadd.s32 $0xFFFFC000  }
0x3b: {  	_ =	swait.ge [sflag:s12], $0x4000  }
0x3c: {  	[sflag:s12] =	ssyncset.done $0x0  }
0x3d: {  	s22 =	simm.s32 $0x2180;
	[sflag:s12] =	ssyncadd.s32 $0xFFFFC000  }
0x3e: {  	v17 =	vld [tilespmem:s22+$0x60]  }
0x3f: {  	v19 =	vld [tilespmem:s22+$0x70]  }
0x40: {  	v9 =	vld [tilespmem:s22+$0x1000]  }
0x41: {  	v8 =	vld [tilespmem:s22+$0x1010]  }
0x42: {  	v23 =	vld [tilespmem:s22+$0x20]  }
0x43: {  	v24 =	vld [tilespmem:s22+$0x30]  }
0x44: {  	v11 =	vld [tilespmem:s22+$0x40]  }
0x45: {  	v10 =	vld [tilespmem:s22+$0x50]  }
0x46: {  	v27 =	vld [tilespmem:s22+$0xFFFFF060]  }
0x47: {  	v28 =	vld [tilespmem:s22+$0xFFFFF070]  }
0x48: {  	v14 =	vld [tilespmem:s22+$0x0]  }
0x49: {  	v13 =	vld [tilespmem:s22+$0x10]  }
0x4a: {  	v30 =	vld [tilespmem:s22+$0xFFFFF020]  }
0x4b: {  	v31 =	vld [tilespmem:s22+$0xFFFFF030]  }
0x4c: {  	v16 =	vld [tilespmem:s22+$0xFFFFF040]  }
0x4d: {  	v15 =	vld [tilespmem:s22+$0xFFFFF050]  }
0x4e: {  	v34 =	vld [tilespmem:s22+$0xFFFFE060]  }
0x4f: {  	v35 =	vld [tilespmem:s22+$0xFFFFE070]  }
0x50: {  	v20 =	vld [tilespmem:s22+$0xFFFFF000]  }
0x51: {  	v18 =	vld [tilespmem:s22+$0xFFFFF010]  }
0x52: {  	v36 =	vld [tilespmem:s22+$0xFFFFE020]  }
0x53: {  	v32 =	vld [tilespmem:s22+$0xFFFFE030]  }
0x54: {  	v33 =	vld [tilespmem:s22+$0xFFFFE040]  }
0x55: {  	s23 =	sand.u32 $0x60, s18;
	v29 =	vld [tilespmem:s22+$0xFFFFE050]  }
0x56: {  	s24 =	sand.u32 $0x70, s18;
	s23 =	sshll.u32 s23, $0x7;
	v37 =	vld [tilespmem:s22+$0xFFFFE000]  }
0x57: {  	s26 =	sor.u32 s24, s23;
	v38 =	vld [tilespmem:s22+$0xFFFFE010]  }
0x58: {  	v45 =	vld [tilespmem:s26+$0xC80]  }
0x59: {  	v46 =	vld [tilespmem:s26+$0xD00]  }
0x5a: {  	v42 =	vld [tilespmem:s26+$0xA80]  }
0x5b: {  	v44 =	vld [tilespmem:s26+$0xB00]  }
0x5c: {  	v40 =	vld [tilespmem:s26+$0x880]  }
0x5d: {  	v43 =	vld [tilespmem:s26+$0x900]  }
0x5e: {  	v39 =	vld [tilespmem:s26+$0x680]  }
0x5f: {  	v41 =	vld [tilespmem:s26+$0x700]  }
0x60: {  	s30 =	simm.s32 $0x0;
	s31 =	sand.u32 $0x7, s18;
	v48 =	vld [tilespmem:s26+$0x480]  }
0x61: {  	s23 =	sand.u32 $0xFFFFC000, s30;
	s24 =	sshll.u32 s31, $0x6;
	v49 =	vld [tilespmem:s26+$0x500]  }
0x62: {  	v25 =	vimm.f32 $0.0e+00;
	v26 =	vimm.f32 $0.0e+00;
	s25 =	simm.s32 $0x0;
	s23 =	sor.u32 s24, s23;
	v50 =	vld [tilespmem:s26+$0x280]  }
0x63: {  	v21 =	vimm.f32 $0.0e+00;
	v22 =	vimm.f32 $0.0e+00;
	s24 =	simm.s32 $0x0;
	s28 =	sshrl.u32 s23, $0x2;
	s23 =	simm.s32 $0x4;
	v12 =	vimm.f32 $0.0e+00;
	v47 =	vld [tilespmem:s26+$0x300]  }
.LBB2_4:
0x64: {  	p0 =	sne.s32 s23, $0x64;
	s28 =	sadd.s32 s28, s21;
	v51 =	vld [tilespmem:s26+$0x180]  }
0x65: {  	v45 =	vmul.f32 v17, v45;
	v46 =	vmul.f32 v19, v46;
	v17 =	vld [tilespmem:s28+$0x0]  }
0x66: {  	v23 =	vmul.f32 v23, v42;
	v24 =	vmul.f32 v24, v44;
	v19 =	vld [tilespmem:s26+$0x200]  }
0x67: {  	v27 =	vmul.f32 v27, v40;
	v28 =	vmul.f32 v28, v43;
	v42 =	vld [tilespmem:s26+$0x380]  }
0x68: {  	v30 =	vmul.f32 v30, v39;
	v31 =	vmul.f32 v31, v41;
	v40 =	vld [tilespmem:s26+$0x400]  }
0x69: {  	v34 =	vmul.f32 v34, v48;
	v35 =	vmul.f32 v35, v49;
	v39 =	vld [tilespmem:s26+$0x580]  }
0x6a: {  	v36 =	vmul.f32 v36, v50;
	v41 =	vld [tilespmem:s26+$0x600];
	v17 =	vmul.f32 v17, v17  }
0x6b: {  	v37 =	vmul.f32 v37, v51;
	v19 =	vmul.f32 v38, v19;
	v38 =	vld [tilespmem:s26+$0x780]  }
0x6c: {  	v32 =	vmul.f32 v32, v47;
	v33 =	vmul.f32 v33, v42;
	v42 =	vld [tilespmem:s26+$0x800];
	v12 =	vadd.f32 v17, v12  }
0x6d: {  	v17 =	vadd.f32 v37, v25;
	v19 =	vadd.f32 v19, v26;
	v25 =	vmul.f32 v29, v40;
	v26 =	vld [tilespmem:s26+$0x980]  }
0x6e: {  	v21 =	vadd.f32 v36, v21;
	v22 =	vadd.f32 v32, v22;
	v20 =	vmul.f32 v20, v39;
	v29 =	vld [tilespmem:s26+$0xA00]  }
0x6f: {  	v17 =	vadd.f32 v33, v17;
	v19 =	vadd.f32 v25, v19;
	v18 =	vmul.f32 v18, v41;
	v25 =	vld [tilespmem:s26+$0xB80]  }
0x70: {  	v21 =	vadd.f32 v34, v21;
	v22 =	vadd.f32 v35, v22;
	v16 =	vmul.f32 v16, v38;
	v32 =	vld [tilespmem:s26+$0xC00]  }
0x71: {  	v20 =	vadd.f32 v20, v17;
	v18 =	vadd.f32 v18, v19;
	v15 =	vmul.f32 v15, v42;
	v33 =	vld [tilespmem:s26+$0xD80]  }
0x72: {  	s22 =	sadd.s32 $0x80, s22;
	v21 =	vadd.f32 v30, v21;
	v22 =	vadd.f32 v31, v22;
	v14 =	vmul.f32 v14, v26;
	v26 =	vld [tilespmem:s26+$0xE00]  }
0x73: {  	v16 =	vadd.f32 v16, v20;
	v17 =	vld [tilespmem:s22+$0x60];
	v15 =	vadd.f32 v15, v18;
	v13 =	vmul.f32 v13, v29  }
0x74: {  	v20 =	vadd.f32 v28, v22;
	v18 =	vadd.f32 v27, v21;
	v19 =	vld [tilespmem:s22+$0x70];
	v11 =	vmul.f32 v11, v25  }
0x75: {  	v14 =	vadd.f32 v14, v16;
	v27 =	vld [tilespmem:s22+$0x1000];
	v13 =	vadd.f32 v13, v15;
	v10 =	vmul.f32 v10, v32  }
0x76: {  	v16 =	vadd.f32 v23, v18;
	v18 =	vadd.f32 v24, v20;
	v15 =	vld [tilespmem:s22+$0x1010];
	v9 =	vmul.f32 v9, v33  }
0x77: {  	v14 =	vadd.f32 v11, v14;
	v23 =	vld [tilespmem:s22+$0x20];
	v10 =	vadd.f32 v10, v13;
	v8 =	vmul.f32 v8, v26  }
0x78: {  	v21 =	vadd.f32 v45, v16;
	v22 =	vadd.f32 v46, v18;
	v24 =	vld [tilespmem:s22+$0x30]  }
0x79: {  	v25 =	vadd.f32 v9, v14;
	v11 =	vld [tilespmem:s22+$0x40];
	v26 =	vadd.f32 v8, v10  }
0x7a: {  	v10 =	vld [tilespmem:s22+$0x50];
	v9 =	vmov v27  }
0x7b: {  	v27 =	vld [tilespmem:s22+$0xFFFFF060];
	v8 =	vmov v15  }
0x7c: {  	v28 =	vld [tilespmem:s22+$0xFFFFF070]  }
0x7d: {  	v14 =	vld [tilespmem:s22+$0x0]  }
0x7e: {  	v13 =	vld [tilespmem:s22+$0x10]  }
0x7f: {  	v30 =	vld [tilespmem:s22+$0xFFFFF020]  }
0x80: {  	v31 =	vld [tilespmem:s22+$0xFFFFF030]  }
0x81: {  	v16 =	vld [tilespmem:s22+$0xFFFFF040]  }
0x82: {  	v15 =	vld [tilespmem:s22+$0xFFFFF050]  }
0x83: {  	v34 =	vld [tilespmem:s22+$0xFFFFE060]  }
0x84: {  	v35 =	vld [tilespmem:s22+$0xFFFFE070]  }
0x85: {  	v20 =	vld [tilespmem:s22+$0xFFFFF000]  }
0x86: {  	v18 =	vld [tilespmem:s22+$0xFFFFF010]  }
0x87: {  	v36 =	vld [tilespmem:s22+$0xFFFFE020]  }
0x88: {  	v32 =	vld [tilespmem:s22+$0xFFFFE030]  }
0x89: {  	v33 =	vld [tilespmem:s22+$0xFFFFE040]  }
0x8a: {  	s24 =	sadd.s32 $0x10, s24;
	s26 =	sand.u32 $0x60, s23;
	v29 =	vld [tilespmem:s22+$0xFFFFE050]  }
0x8b: {  	s28 =	sand.u32 $0x70, s24;
	s26 =	sshll.u32 s26, $0x7;
	v37 =	vld [tilespmem:s22+$0xFFFFE000]  }
0x8c: {  	s26 =	sor.u32 s28, s26;
	v38 =	vld [tilespmem:s22+$0xFFFFE010]  }
0x8d: {  	v45 =	vld [tilespmem:s26+$0xC80]  }
0x8e: {  	v46 =	vld [tilespmem:s26+$0xD00]  }
0x8f: {  	v42 =	vld [tilespmem:s26+$0xA80]  }
0x90: {  	v44 =	vld [tilespmem:s26+$0xB00]  }
0x91: {  	v40 =	vld [tilespmem:s26+$0x880]  }
0x92: {  	v43 =	vld [tilespmem:s26+$0x900]  }
0x93: {  	v39 =	vld [tilespmem:s26+$0x680]  }
.Ltmp0:
0x94: {  	s25 =	sadd.s32 $0x1, s25;
	v41 =	vld [tilespmem:s26+$0x700];
	(pc) =	sbr.rel @p0 .LBB2_4-.Ltmp0, $4  }
0x95: {  	s29 =	sand.u32 $0x7, s25;
	s28 =	sshll.u32 s23, $0x9;
	v48 =	vld [tilespmem:s26+$0x480]  }
0x96: {  	s29 =	sshll.u32 s29, $0x6;
	s28 =	sand.u32 $0xFFFFC000, s28;
	v49 =	vld [tilespmem:s26+$0x500]  }
0x97: {  	s28 =	sor.u32 s29, s28;
	v50 =	vld [tilespmem:s26+$0x280]  }
0x98: {  	s21 =	sadd.s32 $0x80, s21;
	s23 =	sadd.s32 $0x4, s23;
	s28 =	sshrl.u32 s28, $0x2;
	v47 =	vld [tilespmem:s26+$0x300]  }
0x99: {  	v51 =	vld [tilespmem:s26+$0x180];
	v17 =	vmul.f32 v17, v45  }
0x9a: {  	v19 =	vmul.f32 v19, v46;
	v54 =	vld [tilespmem:s26+$0x200];
	v23 =	vmul.f32 v23, v42  }
0x9b: {  	v24 =	vmul.f32 v24, v44;
	v55 =	vld [tilespmem:s26+$0x380];
	v27 =	vmul.f32 v27, v40  }
0x9c: {  	v28 =	vmul.f32 v28, v43;
	v56 =	vld [tilespmem:s26+$0x400];
	v30 =	vmul.f32 v30, v39  }
0x9d: {  	v31 =	vmul.f32 v31, v41;
	v57 =	vld [tilespmem:s26+$0x580];
	v34 =	vmul.f32 v34, v48  }
0x9e: {  	v58 =	vld [tilespmem:s26+$0x600];
	v35 =	vmul.f32 v35, v49;
	v36 =	vmul.f32 v36, v50  }
0x9f: {  	v59 =	vld [tilespmem:s26+$0x780];
	v37 =	vmul.f32 v37, v51;
	v38 =	vmul.f32 v38, v54  }
0xa0: {  	v60 =	vld [tilespmem:s26+$0x800];
	v32 =	vmul.f32 v32, v47;
	v33 =	vmul.f32 v33, v55  }
0xa1: {  	v61 =	vld [tilespmem:s26+$0x980];
	v29 =	vmul.f32 v29, v56;
	v25 =	vadd.f32 v37, v25;
	v26 =	vadd.f32 v38, v26  }
0xa2: {  	v62 =	vld [tilespmem:s26+$0xA00];
	v21 =	vadd.f32 v36, v21;
	v20 =	vmul.f32 v20, v57;
	v22 =	vadd.f32 v32, v22  }
0xa3: {  	v63 =	vld [tilespmem:s26+$0xC00];
	v18 =	vmul.f32 v18, v58;
	v25 =	vadd.f32 v33, v25;
	v26 =	vadd.f32 v29, v26  }
0xa4: {  	v16 =	vmul.f32 v16, v59;
	v21 =	vadd.f32 v34, v21;
	v22 =	vadd.f32 v35, v22;
	v29 =	vld [tilespmem:s26+$0xB80]  }
0xa5: {  	v15 =	vmul.f32 v15, v60;
	v20 =	vadd.f32 v20, v25;
	v18 =	vadd.f32 v18, v26;
	v25 =	vld [tilespmem:s26+$0xD80]  }
0xa6: {  	v14 =	vmul.f32 v14, v61;
	v21 =	vadd.f32 v30, v21;
	v22 =	vadd.f32 v31, v22;
	v26 =	vld [tilespmem:s26+$0xE00]  }
0xa7: {  	v13 =	vmul.f32 v13, v62;
	v16 =	vadd.f32 v16, v20;
	v15 =	vadd.f32 v15, v18  }
0xa8: {  	v10 =	vmul.f32 v10, v63;
	v18 =	vadd.f32 v27, v21;
	v20 =	vadd.f32 v28, v22  }
0xa9: {  	s21 =	sadd.s32 s28, s21;
	v11 =	vmul.f32 v11, v29;
	v14 =	vadd.f32 v14, v16;
	v13 =	vadd.f32 v13, v15  }
0xaa: {  	v15 =	vld [tilespmem:s21+$0x0];
	v16 =	vadd.f32 v23, v18;
	v18 =	vadd.f32 v24, v20;
	v9 =	vmul.f32 v9, v25  }
0xab: {  	v8 =	vmul.f32 v8, v26;
	v11 =	vadd.f32 v11, v14;
	v10 =	vadd.f32 v10, v13  }
0xac: {  	v13 =	vadd.f32 v17, v16;
	v14 =	vadd.f32 v19, v18  }
0xad: {  	v9 =	vadd.f32 v9, v11;
	v8 =	vadd.f32 v8, v10;
	_ =	sdelay $0x1  }
0xae: {  	v10 =	vmul.f32 v15, v15;
	v8 =	vadd.f32 v8, v9;
	v9 =	vadd.f32 v14, v13;
	_ =	sdelay $0x1  }
0xaf: {  	v10 =	vadd.f32 v10, v12;
	v8 =	vadd.f32 v9, v8  }
0xb0: {  	v9 =	vld [tilespmem:$0x31A0]  }
0xb1: {  	v8 =	vsub.f32 v8, v10  }
0xb2: {  	v10 =	vld [tilespmem:$0x3220]  }
0xb3: {  	v8 =	vmul.f32 $5.000000000e-01, v8  }
0xb4: {  	v11 =	vld [tilespmem:$0x32A0]  }
0xb5: {  	v8 =	vadd.f32 v9, v8  }
0xb6: {  	v9 =	vld [tilespmem:$0x3320]  }
0xb7: {  	v8 =	vadd.f32 v10, v8  }
0xb8: {  	v10 =	vld [tilespmem:$0x33A0]  }
0xb9: {  	v8 =	vadd.f32 v11, v8  }
0xba: {  	v11 =	vld [tilespmem:$0x3420]  }
0xbb: {  	v8 =	vadd.f32 v9, v8  }
0xbc: {  	v9 =	vld [tilespmem:$0x34A0]  }
0xbd: {  	v8 =	vadd.f32 v10, v8  }
0xbe: {  	v10 =	vld [tilespmem:$0x3520]  }
0xbf: {  	v8 =	vadd.f32 v11, v8  }
0xc0: {  	s22 =	simm.s32 $0x0;
	v11 =	vld [tilespmem:$0x35A0]  }
0xc1: {  	v39 =	vld [tilespmem:s22+$0x4180];
	v8 =	vadd.f32 v9, v8  }
0xc2: {  	v9 =	vld [tilespmem:$0x3620]  }
0xc3: {  	v40 =	vld [tilespmem:s22+$0x4190];
	v8 =	vadd.f32 v10, v8  }
0xc4: {  	v10 =	vld [tilespmem:$0x36A0]  }
0xc5: {  	v36 =	vld [tilespmem:s22+$0x41C0];
	v8 =	vadd.f32 v11, v8  }
0xc6: {  	v12 =	vld [tilespmem:$0x3720]  }
0xc7: {  	v32 =	vld [tilespmem:s22+$0x51A0];
	v8 =	vadd.f32 v9, v8  }
0xc8: {  	v11 =	vld [tilespmem:$0x37A0]  }
0xc9: {  	v38 =	vld [tilespmem:s22+$0x41A0];
	v8 =	vadd.f32 v10, v8  }
0xca: {  	v13 =	vld [tilespmem:$0x3820]  }
0xcb: {  	v34 =	vld [tilespmem:s22+$0x41B0];
	v8 =	vadd.f32 v12, v8  }
0xcc: {  	v9 =	vld [tilespmem:$0x38A0]  }
0xcd: {  	v37 =	vld [tilespmem:s22+$0x41D0];
	v8 =	vadd.f32 v11, v8  }
0xce: {  	v14 =	vld [tilespmem:$0x3920]  }
0xcf: {  	v35 =	vld [tilespmem:s22+$0x41E0];
	v8 =	vadd.f32 v13, v8  }
0xd0: {  	v10 =	vld [tilespmem:$0x39A0]  }
0xd1: {  	v33 =	vld [tilespmem:s22+$0x41F0];
	v8 =	vadd.f32 v9, v8  }
0xd2: {  	v15 =	vld [tilespmem:$0x3A20]  }
0xd3: {  	v21 =	vld [tilespmem:$0x3CA0];
	v8 =	vadd.f32 v14, v8  }
0xd4: {  	v12 =	vld [tilespmem:$0x3AA0]  }
0xd5: {  	v22 =	vld [tilespmem:$0x3D20];
	v8 =	vadd.f32 v10, v8  }
0xd6: {  	v16 =	vld [tilespmem:$0x3B20]  }
0xd7: {  	v28 =	vld [tilespmem:s22+$0x51E0];
	v8 =	vadd.f32 v15, v8  }
0xd8: {  	v17 =	vld [tilespmem:$0x3BA0]  }
0xd9: {  	v29 =	vld [tilespmem:s22+$0x51B0];
	v8 =	vadd.f32 v12, v8  }
0xda: {  	v18 =	vld [tilespmem:$0x3C20]  }
0xdb: {  	v20 =	vld [tilespmem:s22+$0x61F0];
	v8 =	vadd.f32 v16, v8  }
0xdc: {  	v24 =	vld [tilespmem:s22+$0x61A0]  }
0xdd: {  	v23 =	vld [tilespmem:s22+$0x61B0];
	v8 =	vadd.f32 v17, v8  }
0xde: {  	v26 =	vld [tilespmem:$0x3E20]  }
0xdf: {  	s23 =	simm.s32 $0x0;
	s21 =	simm.s32 $0x0;
	v25 =	vld [tilespmem:s22+$0x51F0];
	v8 =	vadd.f32 v18, v8  }
0xe0: {  	s23 =	sand.u32 $0x3000, s23;
	s24 =	sand.u32 $0x70, s21;
	v9 =	vld [tilespmem:$0x3DA0]  }
0xe1: {  	v19 =	vld [tilespmem:s22+$0x61E0];
	s25 =	sor.u32 s24, s23;
	v8 =	vadd.f32 v21, v8  }
0xe2: {  	v43 =	vld [tilespmem:s25+$0x4C80]  }
0xe3: {  	v41 =	vld [tilespmem:s25+$0x4D00];
	v8 =	vadd.f32 v22, v8  }
0xe4: {  	v14 =	vld [tilespmem:$0x31B0]  }
0xe5: {  	v45 =	vld [tilespmem:s25+$0x4A80];
	v8 =	vadd.f32 v9, v8  }
0xe6: {  	v42 =	vld [tilespmem:s25+$0x4B00]  }
0xe7: {  	v46 =	vld [tilespmem:s25+$0x4880];
	v8 =	vadd.f32 v26, v8  }
0xe8: {  	v44 =	vld [tilespmem:s25+$0x4900]  }
0xe9: {  	v48 =	vld [tilespmem:s25+$0x4680];
	v8 =	vadd.f32 v14, v8  }
0xea: {  	v47 =	vld [tilespmem:s25+$0x4700]  }
0xeb: {  	v11 =	vld [tilespmem:s22+$0x7180];
	v9 =	vperm.xlane v8, v0  }
0xec: {  	v13 =	vld [tilespmem:s22+$0x61C0]  }
0xed: {  	v10 =	vld [tilespmem:s22+$0x7190];
	v8 =	vadd.f32 v9, v8  }
0xee: {  	v15 =	vld [tilespmem:s22+$0x6190]  }
0xef: {  	v12 =	vld [tilespmem:s22+$0x61D0];
	v9 =	vperm.xlane v8, v2  }
0xf0: {  	v16 =	vld [tilespmem:s22+$0x6180]  }
0xf1: {  	v17 =	vld [tilespmem:s22+$0x51D0];
	v8 =	vadd.f32 v9, v8  }
0xf2: {  	v18 =	vld [tilespmem:s22+$0x51C0]  }
0xf3: {  	s31 =	simm.s32 $0x0;
	s30 =	sand.u32 $0x7, s21;
	v21 =	vld [tilespmem:s22+$0x5190];
	v9 =	vperm.xlane v8, v4  }
0xf4: {  	s23 =	sand.u32 $0xFFFFC000, s31;
	v22 =	vld [tilespmem:s22+$0x5180];
	s22 =	sshll.u32 s30, $0x6  }
0xf5: {  	v50 =	vld [tilespmem:s25+$0x4480];
	s22 =	sor.u32 s22, s23;
	v8 =	vadd.f32 v9, v8  }
0xf6: {  	v30 =	vimm.f32 $0.0e+00;
	v31 =	vimm.f32 $0.0e+00;
	v27 =	vimm.f32 $0.0e+00;
	s24 =	simm.s32 $0x0;
	v49 =	vld [tilespmem:s25+$0x4500];
	s22 =	sshrl.u32 s22, $0x2  }
0xf7: {  	v51 =	vld [tilespmem:s25+$0x4280];
	s23 =	simm.s32 $0x0;
	s26 =	sadd.s32 $0x0, s22;
	s22 =	simm.s32 $0x200;
	v26 =	vimm.f32 $0.0e+00;
	v14 =	vimm.f32 $0.0e+00;
	v9 =	vperm.xlane v8, v6  }
.LBB2_6:
0xf8: {  	p0 =	sne.s32 s22, $0x3200;
	v52 =	vld [tilespmem:s25+$0x4300]  }
0xf9: {  	v43 =	vmul.f32 v19, v43;
	v53 =	vld [tilespmem:s25+$0x4180]  }
0xfa: {  	v24 =	vmul.f32 v24, v45;
	v41 =	vmul.f32 v20, v41;
	v19 =	vld [tilespmem:s25+$0x4200]  }
0xfb: {  	v28 =	vmul.f32 v28, v46;
	v23 =	vmul.f32 v23, v42;
	v20 =	vld [tilespmem:s25+$0x4380]  }
0xfc: {  	v32 =	vmul.f32 v32, v48;
	v25 =	vmul.f32 v25, v44;
	v42 =	vld [tilespmem:s25+$0x4400]  }
0xfd: {  	v29 =	vmul.f32 v29, v47;
	v35 =	vmul.f32 v35, v50;
	v44 =	vld [tilespmem:s25+$0x4580]  }
0xfe: {  	v33 =	vmul.f32 v33, v49;
	v38 =	vmul.f32 v38, v51;
	v45 =	vld [tilespmem:s25+$0x4600]  }
0xff: {  	v39 =	vmul.f32 v39, v53;
	v19 =	vmul.f32 v40, v19;
	v40 =	vld [tilespmem:s25+$0x4780]  }
0x100: {  	v34 =	vmul.f32 v34, v52;
	v20 =	vmul.f32 v36, v20;
	v36 =	vld [tilespmem:s25+$0x4800]  }
0x101: {  	v30 =	vadd.f32 v39, v30;
	v19 =	vadd.f32 v19, v31;
	v31 =	vmul.f32 v37, v42;
	v37 =	vld [tilespmem:s25+$0x4980]  }
0x102: {  	v26 =	vadd.f32 v38, v26;
	v27 =	vadd.f32 v34, v27;
	v22 =	vmul.f32 v22, v44;
	v34 =	vld [tilespmem:s25+$0x4A00]  }
0x103: {  	v20 =	vadd.f32 v20, v30;
	v19 =	vadd.f32 v31, v19;
	v21 =	vmul.f32 v21, v45;
	v30 =	vld [tilespmem:s25+$0x4B80]  }
0x104: {  	v26 =	vadd.f32 v35, v26;
	v27 =	vadd.f32 v33, v27;
	v18 =	vmul.f32 v18, v40;
	v31 =	vld [tilespmem:s25+$0x4C00]  }
0x105: {  	v20 =	vadd.f32 v22, v20;
	v19 =	vadd.f32 v21, v19;
	v17 =	vmul.f32 v17, v36;
	v21 =	vld [tilespmem:s25+$0x4D80]  }
0x106: {  	v22 =	vadd.f32 v32, v26;
	v26 =	vadd.f32 v29, v27;
	v16 =	vmul.f32 v16, v37;
	v27 =	vld [tilespmem:s25+$0x4E00]  }
0x107: {  	s28 =	sshra.s32 s22, $0x2;
	v18 =	vadd.f32 v18, v20;
	v17 =	vadd.f32 v17, v19;
	v15 =	vmul.f32 v15, v34;
	v29 =	vld [tilespmem:s26+$0x4180]  }
0x108: {  	v22 =	vadd.f32 v28, v22;
	v25 =	vadd.f32 v25, v26;
	v19 =	vld [tilespmem:s28+$0x61E0];
	v13 =	vmul.f32 v13, v30  }
0x109: {  	v16 =	vadd.f32 v16, v18;
	v20 =	vld [tilespmem:s28+$0x61F0];
	v15 =	vadd.f32 v15, v17;
	v12 =	vmul.f32 v12, v31  }
0x10a: {  	v18 =	vadd.f32 v23, v25;
	v17 =	vadd.f32 v24, v22;
	v21 =	vmul.f32 v11, v21;
	v11 =	vld [tilespmem:s28+$0x7180]  }
0x10b: {  	v13 =	vadd.f32 v13, v16;
	v12 =	vadd.f32 v12, v15;
	v15 =	vmul.f32 v10, v27;
	v10 =	vld [tilespmem:s28+$0x7190]  }
0x10c: {  	v26 =	vadd.f32 v43, v17;
	v27 =	vadd.f32 v41, v18;
	v24 =	vld [tilespmem:s28+$0x61A0];
	v16 =	vmul.f32 v29, v29  }
0x10d: {  	v30 =	vadd.f32 v21, v13;
	v23 =	vld [tilespmem:s28+$0x61B0];
	v31 =	vadd.f32 v15, v12  }
0x10e: {  	v13 =	vld [tilespmem:s28+$0x61C0];
	v14 =	vadd.f32 v16, v14  }
0x10f: {  	v12 =	vld [tilespmem:s28+$0x61D0]  }
0x110: {  	v28 =	vld [tilespmem:s28+$0x51E0]  }
0x111: {  	v25 =	vld [tilespmem:s28+$0x51F0]  }
0x112: {  	v16 =	vld [tilespmem:s28+$0x6180]  }
0x113: {  	v15 =	vld [tilespmem:s28+$0x6190]  }
0x114: {  	v32 =	vld [tilespmem:s28+$0x51A0]  }
0x115: {  	v29 =	vld [tilespmem:s28+$0x51B0]  }
0x116: {  	v18 =	vld [tilespmem:s28+$0x51C0]  }
0x117: {  	v17 =	vld [tilespmem:s28+$0x51D0]  }
0x118: {  	v35 =	vld [tilespmem:s28+$0x41E0]  }
0x119: {  	v33 =	vld [tilespmem:s28+$0x41F0]  }
0x11a: {  	v22 =	vld [tilespmem:s28+$0x5180]  }
0x11b: {  	v21 =	vld [tilespmem:s28+$0x5190]  }
0x11c: {  	s21 =	sadd.s32 $0x1, s21;
	v38 =	vld [tilespmem:s28+$0x41A0]  }
0x11d: {  	s25 =	sand.u32 $0x7, s21;
	v34 =	vld [tilespmem:s28+$0x41B0]  }
0x11e: {  	s23 =	sadd.s32 $0x4, s23;
	s25 =	sshll.u32 s25, $0x6;
	v36 =	vld [tilespmem:s28+$0x41C0]  }
0x11f: {  	s24 =	sadd.s32 $0x10, s24;
	s29 =	sshll.u32 s23, $0x7;
	s26 =	sshll.u32 s23, $0x9;
	v37 =	vld [tilespmem:s28+$0x41D0]  }
0x120: {  	s30 =	sand.u32 $0x70, s24;
	s29 =	sand.u32 $0x3000, s29;
	s26 =	sand.u32 $0xFFFFC000, s26;
	v39 =	vld [tilespmem:s28+$0x4180]  }
0x121: {  	s26 =	sor.u32 s25, s26;
	s25 =	sor.u32 s30, s29;
	v40 =	vld [tilespmem:s28+$0x4190]  }
0x122: {  	s26 =	sshrl.u32 s26, $0x2;
	v43 =	vld [tilespmem:s25+$0x4C80]  }
0x123: {  	s26 =	sadd.s32 s28, s26;
	v41 =	vld [tilespmem:s25+$0x4D00]  }
0x124: {  	v45 =	vld [tilespmem:s25+$0x4A80]  }
0x125: {  	v42 =	vld [tilespmem:s25+$0x4B00]  }
0x126: {  	v46 =	vld [tilespmem:s25+$0x4880]  }
0x127: {  	v44 =	vld [tilespmem:s25+$0x4900]  }
.Ltmp1:
0x128: {  	v48 =	vld [tilespmem:s25+$0x4680];
	(pc) =	sbr.rel @p0 .LBB2_6-.Ltmp1, $4  }
0x129: {  	v47 =	vld [tilespmem:s25+$0x4700]  }
0x12a: {  	v50 =	vld [tilespmem:s25+$0x4480]  }
0x12b: {  	v49 =	vld [tilespmem:s25+$0x4500]  }
0x12c: {  	s22 =	sadd.s32 $0x200, s22;
	v51 =	vld [tilespmem:s25+$0x4280]  }
0x12d: {  	v52 =	vld [tilespmem:s25+$0x4300]  }
0x12e: {  	v53 =	vld [tilespmem:s25+$0x4180];
	v19 =	vmul.f32 v19, v43  }
0x12f: {  	v61 =	vld [tilespmem:s25+$0x4200];
	v24 =	vmul.f32 v24, v45;
	v20 =	vmul.f32 v20, v41  }
0x130: {  	v62 =	vld [tilespmem:s25+$0x4380];
	v28 =	vmul.f32 v28, v46;
	v23 =	vmul.f32 v23, v42  }
0x131: {  	v63 =	vld [tilespmem:s25+$0x4400];
	v32 =	vmul.f32 v32, v48;
	v25 =	vmul.f32 v25, v44  }
0x132: {  	v54 =	vld [tilespmem:s25+$0x4600];
	v29 =	vmul.f32 v29, v47;
	v35 =	vmul.f32 v35, v50  }
0x133: {  	v50 =	vld [tilespmem:s25+$0x4580];
	v33 =	vmul.f32 v33, v49;
	v38 =	vmul.f32 v38, v51  }
0x134: {  	v55 =	vld [tilespmem:s25+$0x4780];
	v39 =	vmul.f32 v39, v53;
	v40 =	vmul.f32 v40, v61  }
0x135: {  	v56 =	vld [tilespmem:s25+$0x4800];
	v34 =	vmul.f32 v34, v52;
	v36 =	vmul.f32 v36, v62  }
0x136: {  	v57 =	vld [tilespmem:s25+$0x4980];
	v37 =	vmul.f32 v37, v63;
	v30 =	vadd.f32 v39, v30;
	v31 =	vadd.f32 v40, v31  }
0x137: {  	v58 =	vld [tilespmem:s25+$0x4A00];
	v21 =	vmul.f32 v21, v54;
	v26 =	vadd.f32 v38, v26;
	v27 =	vadd.f32 v34, v27  }
0x138: {  	v59 =	vld [tilespmem:s25+$0x4B80];
	v22 =	vmul.f32 v22, v50;
	v30 =	vadd.f32 v36, v30;
	v31 =	vadd.f32 v37, v31  }
0x139: {  	v60 =	vld [tilespmem:s25+$0x4C00];
	v18 =	vmul.f32 v18, v55;
	v26 =	vadd.f32 v35, v26;
	v27 =	vadd.f32 v33, v27  }
0x13a: {  	v17 =	vmul.f32 v17, v56;
	v61 =	vld [tilespmem:s25+$0x4D80];
	v22 =	vadd.f32 v22, v30;
	v21 =	vadd.f32 v21, v31  }
0x13b: {  	v16 =	vmul.f32 v16, v57;
	v62 =	vld [tilespmem:s25+$0x4E00];
	v26 =	vadd.f32 v32, v26;
	v27 =	vadd.f32 v29, v27  }
0x13c: {  	v15 =	vmul.f32 v15, v58;
	v18 =	vadd.f32 v18, v22;
	v17 =	vadd.f32 v17, v21  }
0x13d: {  	v13 =	vmul.f32 v13, v59;
	v63 =	vadd.f32 v28, v26;
	v25 =	vadd.f32 v25, v27  }
0x13e: {  	v12 =	vmul.f32 v12, v60;
	v16 =	vadd.f32 v16, v18;
	v15 =	vadd.f32 v15, v17  }
0x13f: {  	v11 =	vmul.f32 v11, v61;
	v26 =	vld [tilespmem:s26+$0x4180];
	v27 =	vadd.f32 v24, v63;
	v28 =	vadd.f32 v23, v25  }
0x140: {  	v10 =	vmul.f32 v10, v62;
	v13 =	vadd.f32 v13, v16;
	v12 =	vadd.f32 v12, v15  }
0x141: {  	v29 =	vadd.f32 v19, v27;
	v30 =	vadd.f32 v20, v28  }
0x142: {  	v11 =	vadd.f32 v11, v13;
	v10 =	vadd.f32 v10, v12;
	_ =	sdelay $0x1  }
0x143: {  	v31 =	vmul.f32 v26, v26;
	v32 =	vadd.f32 v30, v29;
	v10 =	vadd.f32 v10, v11;
	_ =	sdelay $0x1  }
0x144: {  	v12 =	vadd.f32 v31, v14;
	v10 =	vadd.f32 v32, v10  }
0x145: {  	v33 =	vld [tilespmem:$0x71A0]  }
0x146: {  	v10 =	vsub.f32 v10, v12  }
0x147: {  	v34 =	vld [tilespmem:$0x7220]  }
0x148: {  	v10 =	vmul.f32 $5.000000000e-01, v10  }
0x149: {  	v35 =	vld [tilespmem:$0x72A0]  }
0x14a: {  	v10 =	vadd.f32 v33, v10  }
0x14b: {  	v36 =	vld [tilespmem:$0x7320]  }
0x14c: {  	v10 =	vadd.f32 v34, v10  }
0x14d: {  	v37 =	vld [tilespmem:$0x73A0]  }
0x14e: {  	v10 =	vadd.f32 v35, v10  }
0x14f: {  	v38 =	vld [tilespmem:$0x7420]  }
0x150: {  	v10 =	vadd.f32 v36, v10  }
0x151: {  	v39 =	vld [tilespmem:$0x74A0]  }
0x152: {  	v10 =	vadd.f32 v37, v10  }
0x153: {  	v40 =	vld [tilespmem:$0x7520]  }
0x154: {  	v10 =	vadd.f32 v38, v10  }
0x155: {  	v41 =	vld [tilespmem:$0x75A0]  }
0x156: {  	v10 =	vadd.f32 v39, v10  }
0x157: {  	v42 =	vld [tilespmem:$0x7620]  }
0x158: {  	v10 =	vadd.f32 v40, v10  }
0x159: {  	v43 =	vld [tilespmem:$0x76A0]  }
0x15a: {  	v10 =	vadd.f32 v41, v10  }
0x15b: {  	v44 =	vld [tilespmem:$0x7720]  }
0x15c: {  	v10 =	vadd.f32 v42, v10  }
0x15d: {  	v45 =	vld [tilespmem:$0x77A0]  }
0x15e: {  	v10 =	vadd.f32 v43, v10  }
0x15f: {  	v46 =	vld [tilespmem:$0x7820]  }
0x160: {  	v10 =	vadd.f32 v44, v10  }
0x161: {  	v47 =	vld [tilespmem:$0x78A0]  }
0x162: {  	v10 =	vadd.f32 v45, v10  }
0x163: {  	v48 =	vld [tilespmem:$0x7920]  }
0x164: {  	v10 =	vadd.f32 v46, v10  }
0x165: {  	v49 =	vld [tilespmem:$0x79A0]  }
0x166: {  	v10 =	vadd.f32 v47, v10  }
0x167: {  	v50 =	vld [tilespmem:$0x7A20]  }
0x168: {  	v10 =	vadd.f32 v48, v10  }
0x169: {  	v51 =	vld [tilespmem:$0x7AA0]  }
0x16a: {  	v10 =	vadd.f32 v49, v10  }
0x16b: {  	v52 =	vld [tilespmem:$0x7B20]  }
0x16c: {  	v10 =	vadd.f32 v50, v10  }
0x16d: {  	v53 =	vld [tilespmem:$0x7BA0]  }
0x16e: {  	v10 =	vadd.f32 v51, v10  }
0x16f: {  	v54 =	vld [tilespmem:$0x7C20]  }
0x170: {  	v10 =	vadd.f32 v52, v10  }
0x171: {  	v55 =	vld [tilespmem:$0x7CA0]  }
0x172: {  	v10 =	vadd.f32 v53, v10  }
0x173: {  	v56 =	vld [tilespmem:$0x7D20]  }
0x174: {  	v10 =	vadd.f32 v54, v10  }
0x175: {  	v57 =	vld [tilespmem:$0x7DA0]  }
0x176: {  	v10 =	vadd.f32 v55, v10  }
0x177: {  	v58 =	vld [tilespmem:$0x7E20]  }
0x178: {  	v10 =	vadd.f32 v56, v10  }
0x179: {  	v59 =	vld [tilespmem:$0x71B0]  }
0x17a: {  	v10 =	vadd.f32 v57, v10;
	_ =	sdelay $0x1  }
0x17b: {  	v10 =	vadd.f32 v58, v10;
	_ =	sdelay $0x1  }
0x17c: {  	v10 =	vadd.f32 v59, v10;
	_ =	sdelay $0x1  }
0x17d: {  	v60 =	vperm.xlane v10, v0;
	_ =	sdelay $0x1  }
0x17e: {  	v10 =	vadd.f32 v60, v10;
	_ =	sdelay $0x1  }
0x17f: {  	v11 =	vperm.xlane v10, v2;
	_ =	sdelay $0x1  }
0x180: {  	v10 =	vadd.f32 v11, v10;
	_ =	sdelay $0x1  }
0x181: {  	v11 =	vperm.xlane v10, v4;
	_ =	sdelay $0x1  }
0x182: {  	s19 =	sadd.s32 $0x1, s19;
	v10 =	vadd.f32 v11, v10  }
0x183: {  	p0 =	sne.s32 s19, $0x8  }
.Ltmp2:
0x184: {  	v11 =	vperm.xlane v10, v6;
	(pc) =	sbr.rel @p0 .LBB2_3-.Ltmp2, $4  }
0x185: {  	v8 =	vadd.f32 v9, v8;
	s31 =	sor.u32 $0x1, s20;
	v61 =	vmov s20  }
0x186: {  	vm0 =	veq.s32 v61, v3;
	v63 =	vmov s31;
	v62 =	vadd.f32 v11, v10  }
0x187: {  	v7 =	vsel vm0, v8, v7;
	vm15 =	veq.s32 v63, v3  }
0x188: {  	v7 =	vsel vm15, v62, v7  }
0x189: {  	v7 =	vsub.f32 $0.0e+00, v7;
	_ =	sdelay $0x1  }
0x18a: {  	v7 =	vmul.f32 $1.442695020e+00, v7;
	_ =	sdelay $0x1  }
0x18b: {  	(erf) = vpow2.f32 v7;
	_ =	sdelay $0x8  }
0x18c: {  	v7 =	vpop (erf)  }
0x18d: {  	v7 =	vadd.f32 $1.000000000e+00, v7;
	_ =	sdelay $0x1  }
0x18e: {  	(erf) = vrcp.f32 v7;
	_ =	sdelay $0x3  }
0x18f: {  	s15 =	sadd.s32 $0x1, s15  }
0x190: {  	p0 =	sne.s32 s15, $0x8  }
.Ltmp3:
0x191: {  	_ = 	snop;
	(pc) =	sbr.rel @p0 .LBB2_2-.Ltmp3, $3  }
0x192: {  	_ =	sdelay $0x1  }
0x193: {  	s16 =	sand.u32 $0x3FFFFFF0, s16;
	v7 =	vpop (erf)  }
0x194: {  	[tilespmem:s16+$0x8180] =	vst v7  }
0x195: {  	s14 =	sadd.s32 $0x1, s14  }
0x196: {  	p0 =	sne.s32 s14, s7  }
.Ltmp4:
0x197: {  	_ = 	snop;
	(pc) =	sbr.rel @p0 .LBB2_1-.Ltmp4, $4  }
0x198: {  	[hbm4b:s6+s0] =	stream.linear.scatter [tilespmem:s13], [sflag:$0x2], $0x80, $0x38;
	[tilespmem:$0x8200] =	vst v63  }
0x199: {  	_ =	swait.ge [sflag:s8], $0x80  }
0x19a: {  	[sflag:s8] =	ssyncset.done $0x0  }
0x19b: {  	[sflag:s8] =	ssyncadd.s32 $0xFFFFFF80  }
0x19c: {  	_ =	sfence.sel $0x180000  }
0x19d: {  	[bflag:$0x0] =	sbarrier.arrive $0xFFFF  }
0x19e: {  	p0 =	sne.s32 s2, $0x0;
	_ =	strace $0x9000004A  }
0x19f: {  	s0 =	sadd.s32 @!p0 $0x100000, s1;
	[bflag:$0x2] =	sbarrier.arrive $0xFFFF  }
0x1a0: {  	[sflag:s0] =	ssyncadd.tile.s32 @!p0 $0x1;
	_ =	shalt  }
.Lfunc_end2:
_tile_overlayer_lowered:
.L_overlay_start_2:
0x1a1: {  	(tag) =	ssettag $0x2  }
0x1a2: {  	s0 =	rddreg [dreg:$0x0];
	s2 =	stileid.u32  }
0x1a3: {  	s1 =	rddreg [dreg:$0x1];
	p0 =	sne.s32 s2, $0x0  }
0x1a4: {  	s3 =	rddreg [dreg:$0x2];
	[bflag:$0x3] =	sbarrier.arrive $0xFFFF;
	s2 =	simm.s32 @!p0 $0x1C02  }
0x1a5: {  	[timem:s3], [sflag:s2] =	dma.local @!p0 [hbm:s0], s1  }
0x1a6: {  	s0 =	simm.s32 @!p0 $0x2  }
0x1a7: {  	_ =	swait.ge @!p0 [sflag:s0], s1  }
0x1a8: {  	s1 =	ssub.s32 @!p0 $0x0, s1;
	[sflag:s0] =	ssyncset.done @!p0 $0x0  }
0x1a9: {  	[sflag:s0] =	ssyncadd.s32 @!p0 s1  }
0x1aa: {  	[bflag:$0x3] =	sbarrier.arrive $0xFFFF  }
0x1ab: {  	_ =	shalt  }

// kernel: sparse-core-data-format-call.cloned.1.call-start
scs
called_computation_lowered:
.L_overlay_start_0:
0x0: {  	s2 =	sld [smem:$0x3FD9]  }
0x1: {  	s3 =	sld [smem:$0x3FFE];
	_ =	sdelay $0x1  }
0x2: {  	s1 =	srdreg.scid  }
0x3: {  	s0 =	sand.u32 $0x1, s1  }
0x4: {  	s18 =	sshll.u32 s0, $0xA;
	s2 =	sadd.s32 s3, s2  }
0x5: {  	s2 =	sadd.s32 s2, s18  }
0x6: {  	[smem:$0x3FC4] =	sst s2  }
0x7: {  	_ = 	snop  }
0x8: {  	s2 =	sld [smem:$0x3FC8];
	(tm) =	ssettm $0x1  }
0x9: {  	s19 =	sld [smem:$0x3FFB];
	_ =	sdelay $0x3  }
0xa: {  	_ =	strace s19  }
0xb: {  	s3 =	sld [smem:$0x3FFC];
	_ =	sdelay $0x3  }
0xc: {  	_ =	strace s3  }
0xd: {  	s3 =	sld [smem:$0x3FFD];
	_ =	sdelay $0x3  }
0xe: {  	_ =	strace s3  }
0xf: {  	_ =	strace $0x8FFFFFFF  }
0x10: {  	s20 =	sld [smem:$0x3FDB];
	_ =	sdelay $0x1  }
0x11: {  	s4 =	simm.s32 $_scs_section_size  }
0x12: {  	s5 =	simm.s32 $_size__tile_overlayer_lowered;
	s6 =	simm.s32 $_tile_overlayer_lowered  }
0x13: {  	s23 =	simm.s32 $0x1BFF;
	s22 =	sshll.u32 s6, $0x1;
	s3 =	sadd.s32 s4, s20  }
0x14: {  	s7 =	simm.s32 $0x0;
	s21 =	sshll.u32 s5, $0x1;
	s5 =	sadd.s32 s22, s3  }
0x15: {  	[timem:s7], [sflag:s23] =	dma.local [hbm:s5], s21  }
0x16: {  	_ =	swait.ge [sflag:s23], s21  }
0x17: {  	s4 =	ssub.s32 $0x0, s21;
	[sflag:s23] =	ssyncset.done $0x0  }
0x18: {  	[sflag:s23] =	ssyncadd.s32 s4;
	_ =	sdelay $0x1  }
0x19: {  	s24 =	simm.s32 $0x1B8B  }
0x1a: {  	_ =	swait.ge [sflag:s24], $0x1  }
0x1b: {  	[sflag:s24] =	ssyncset.done $0x0  }
0x1c: {  	s26 =	simm.s32 $0x1B8E;
	s25 =	sld [smem:$0x3FFE];
	[sflag:s24] =	ssyncadd.s32 $0xFFFFFFFF  }
0x1d: {  	s27 =	simm.s32 $execute0_lowered;
	[smem:$0x3FD2] =	sst s26  }
0x1e: {  	s5 =	sshll.u32 s27, $0x1;
	_ =	strace $0x80000046;
	[dreg:$0x1] =	wrdreg $0xFFFFFFFF  }
0x1f: {  	s28 =	simm.s32 $_size_execute0_lowered;
	s3 =	sadd.s32 s3, s5;
	[dreg:$0x0] =	wrdreg $0x0  }
0x20: {  	s5 =	sshll.u32 s28, $0x1;
	[dreg:$0x2] =	wrdreg s3  }
0x21: {  	[dreg:$0x3] =	wrdreg s5  }
0x22: {  	[dreg:$0x4] =	wrdreg $0xC0  }
0x23: {  	_ =	task [dreg:s7], $0x5FFFF  }
0x24: {  	[dreg:$0x1] =	wrdreg $0xFFFFFFFF  }
0x25: {  	[dreg:$0x0] =	wrdreg $0x60  }
0x26: {  	[dreg:$0x2] =	wrdreg s2  }
0x27: {  	[dreg:$0x3] =	wrdreg s25  }
0x28: {  	[dreg:$0x4] =	wrdreg $0x9  }
0x29: {  	_ =	task.clear_ibuf [dreg:s7], $0x5FFFF;
	_ =	strace $0x90000046  }
0x2a: {  	s29 =	simm.s32 $0x9;
	_ =	strace $0x80000048  }
0x2b: {  	_ =	swait.ge [sflag:s29], $0x1  }
0x2c: {  	[sflag:s29] =	ssyncadd.s32 $0xFFFFFFFF  }
0x2d: {  	_ =	strace $0x90000048  }
0x2e: {  	_ =	sfence  }
0x2f: {  	s30 =	sld [smem:$0x0];
	_ =	sdelay $0x2  }
0x30: {  	s31 =	sshll.u32 s1, $0xD;
	s1 =	sshrl.u32 s1, $0x2  }
0x31: {  	s3 =	sand.u32 $0x4000, s31;
	s1 =	sadd.s32 s1, s30  }
0x32: {  	s0 =	sor.u32 s3, s0;
	s1 =	sshll.u32 s1, $0x11  }
0x33: {  	s0 =	sor.u32 s1, s0  }
0x34: {  	s0 =	sadd.s32 $0x8F2B, s0  }
0x35: {  	[sflag:s0] =	ssyncadd.remote.s32 $0x1  }
0x36: {  	_ =	sfence.sel $0xFFFF  }
0x37: {  	[dreg:$0x0] =	wrdreg $0xFFFFFFFF;
	(pc) =	sbr.abs _section_cstart, $3  }
0x38: {  	[dreg:$0x1] =	wrdreg $0xFFFFFFFF  }
0x39: {  	_ =	task.clear_ibuf [dreg:s7], $0x2FFFF;
	_ =	strace $0x9FFFFFFF  }
0x3a: {  	(tm) =	ssettm $0x7FFFFFFF  }
0x3b: {  	_ =	shalt  }
tec
execute0_lowered:
.L_overlay_start_1:
0x0: {  	(tag) =	ssettag $0x1  }
0x1: {  	s3 =	stileid.u32;
	s0 =	srdreg.scid  }
0x2: {  	s1 =	rddreg [dreg:$0x1];
	_ =	strace $0x80000047;
	s29 =	simm.s32 $0x1  }
0x3: {  	s31 =	simm.s32 $0x2;
	s10 =	simm.s32 $0x0;
	s9 =	simm.s32 $0x0  }
0x4: {  	s2 =	sshll.u32 s3, $0x5;
	s0 =	sshll.u32 s0, $0x9;
	s1 =	sadd.s32 $0x1000, s1  }
0x5: {  	s28 =	sshll.u32 s3, $0x7;
	s0 =	sor.u32 s2, s0;
	[dreg:$0x3] =	wrdreg s1  }
.Ltmp0:
0x6: {  	s13 =	sand.u32 $0x180, s28;
	s11 =	sand.u32 $0x380, s0;
	(pc) =	sbr.rel .LBB1_1-.Ltmp0, $4  }
0x7: {  	s8 =	simm.s32 $0x0;
	[dreg:$0x6] =	wrdreg s13;
	s30 =	ssub.s32 $0x19600, s11  }
0x8: {  	s12 =	simm.s32 $0x0;
	[dreg:$0x4] =	wrdreg s11;
	s1 =	sshrl.u32 s30, $0xA  }
0x9: {  	[sflag:s29] =	ssyncpa.u1 $0x0;
	[dreg:$0x5] =	wrdreg s1;
	s7 =	sor.u32 $0x2, s1  }
0xa: {  	s14 =	simm.s32 $0x0;
	[sflag:s31] =	ssyncpa.u1 $0x0;
	[dreg:$0x7] =	wrdreg s7  }
.LBB1_12:
0xb: {  	s8 =	rddreg [dreg:$0x8]  }
0xc: {  	s5 =	rddreg [dreg:$0xc]  }
0xd: {  	s1 =	sshll.u32 s12, $0x3;
	s24 =	rddreg [dreg:$0xb]  }
0xe: {  	s4 =	smov.u32 s12;
	s27 =	sand.u32 $0x78, s12;
	s29 =	rddreg [dreg:$0x3]  }
0xf: {  	s28 =	sand.u32 $0x7, s12;
	s31 =	simm.s32 $0x1000;
	s7 =	rddreg [dreg:$0x7]  }
0x10: {  	s9 =	rddreg [dreg:$0x9];
	s0 =	sshll.u32 s8, $0x9;
	s1 =	sand.u32 $0xFFFFFC00, s1  }
0x11: {  	s2 =	sshll.u32 s8, $0x7;
	p0 =	sgt.s32 s8, $0x195C8;
	s0 =	sand.u32 $0xFFFFF000, s0  }
0x12: {  	s23 =	sand.u32 $0x200, s2;
	s0 =	sadd.s32 s1, s0;
	s1 =	smov.u32 s8  }
0x13: {  	s2 =	sand.u32 $0x180, s2;
	s0 =	sor.u32 s23, s0;
	s1 =	simm.s32 @!p0 $0x195C8  }
0x14: {  	p0 =	sgt.s32 s12, $0x180;
	s0 =	sshrl.u32 s0, $0x9;
	s1 =	sadd.s32 s5, s1  }
0x15: {  	s4 =	simm.s32 @!p0 $0x180;
	s3 =	smulhi.u32 $0xA14E97, s0;
	s25 =	sadd.s32 $0xFFFE6A38, s1  }
0x16: {  	s4 =	sadd.s32 s24, s4;
	s1 =	ssub.s32 $0x19648, s1;
	p0 =	sgt.s32 s25, $0x7F  }
0x17: {  	s26 =	sadd.s32 $0xFFFFFE80, s4;
	s4 =	ssub.s32 $0x200, s4;
	s3 =	sshrl.u32 s3, $0x8  }
0x18: {  	s1 =	simm.s32 @p0 $0x0;
	p0 =	sgt.s32 s26, $0x7F;
	s3 =	smul.u32 $0x19648, s3  }
0x19: {  	s10 =	rddreg [dreg:$0xa];
	s2 =	sor.u32 s27, s2;
	s4 =	simm.s32 @p0 $0x0  }
0x1a: {  	s2 =	sshrl.u32 s2, $0x3;
	s1 =	smul.u32 s4, s1;
	s0 =	ssub.s32 s0, s3  }
0x1b: {  	s2 =	sadd.s32 s29, s2;
	s3 =	sshll.u32 s28, $0x12;
	s0 =	sshll.u32 s0, $0x6  }
0x1c: {  	s1 =	sand.u32 $0x3FFFFFFF, s1;
	s30 =	sor.u32 $0x400, s3;
	s0 =	sadd.s32 s0, s2  }
0x1d: {  	[hbm4b:s0+s30] =	stream.strided.scatter [tilespmem:s18], [sflag:$0x2], s1, s31, s30, $0x20;
	[tilespmem:$0x10100] =	vst v63  }
.LBB1_13:
0x1e: {  	p0 =	slt.u32 s14, $0x2  }
0x1f: {  	s1 =	smov.u32 s10;
	s2 =	smov.u32 s9;
	p1 =	sgt.s32 @!p0 s10, $0x195C8  }
0x20: {  	s0 =	sshra.s32 @!p0 s10, $0x1F;
	p2 =	sgt.s32 @!p0 s9, $0x180;
	s3 =	sshra.s32 @!p0 s9, $0x1F  }
0x21: {  	p1 =	por !p1, p0;
	s0 =	sand.u32 @!p0 s0, s10;
	p2 =	por !p2, p0  }
0x22: {  	s3 =	sand.u32 @!p0 s3, s9;
	s1 =	simm.s32 @p1 $0x195C8;
	s2 =	simm.s32 @p2 $0x180  }
0x23: {  	s0 =	ssub.s32 @!p0 s1, s0;
	s1 =	ssub.s32 @!p0 s2, s3  }
0x24: {  	s2 =	sadd.s32 @!p0 $0xFFFE6A38, s0;
	s3 =	sadd.s32 @!p0 $0xFFFFFE80, s1  }
0x25: {  	s0 =	ssub.s32 @!p0 $0x19648, s0;
	p1 =	sgt.s32 @!p0 s2, $0x7F;
	p2 =	sgt.s32 @!p0 s3, $0x7F  }
0x26: {  	s1 =	ssub.s32 @!p0 $0x200, s1;
	p1 =	por !p1, p0;
	p2 =	por !p2, p0  }
0x27: {  	s0 =	simm.s32 @!p1 $0x0;
	s1 =	simm.s32 @!p2 $0x0  }
0x28: {  	s0 =	smul.u32 @!p0 s1, s0  }
0x29: {  	s4 =	smov.u32 s13  }
0x2a: {  	s2 =	simm.s32 @!p0 $0x2;
	s1 =	sadd.s32 $0x400, s11;
	s0 =	sand.u32 @!p0 $0x3FFFFFFF, s0  }
0x2b: {  	s3 =	sadd.s32 $0x200, s13;
	p1 =	sgt.s32 s1, $0x19640;
	_ =	swait.ge @!p0 [sflag:s2], s0  }
0x2c: {  	s4 =	smov.u32 @p1 s3;
	s3 =	rddreg [dreg:$0x4]  }
0x2d: {  	s1 =	smov.u32 @p1 s3;
	p1 =	sgt.s32 s4, $0x19F;
	s3 =	rddreg [dreg:$0x6]  }
0x2e: {  	s4 =	smov.u32 @p1 s3;
	p1 =	sne.s32 s14, s7  }
.Ltmp1:
0x2f: {  	_ = 	snop;
	(pc) =	sbr.rel @!p1 .LBB1_14-.Ltmp1, $4  }
0x30: {  	s10 =	smov.u32 s8  }
0x31: {  	s9 =	smov.u32 s12;
	s0 =	ssub.s32 @!p0 $0x0, s0;
	[sflag:s2] =	ssyncset.done @!p0 $0x0  }
0x32: {  	s8 =	smov.u32 s11;
	s12 =	smov.u32 s13;
	[sflag:s2] =	ssyncadd.s32 @!p0 s0  }
0x33: {  	s14 =	sadd.s32 $0x1, s14;
	s11 =	smov.u32 s1;
	s13 =	smov.u32 s4  }
.LBB1_1:
0x34: {  	s0 =	rddreg [dreg:$0x5]  }
0x35: {  	p0 =	sgt.u32 s14, s0  }
0x36: {  	s0 =	sshrl.u32 @!p0 s13, $0x3  }
0x37: {  	s1 =	sshll.u32 @!p0 s11, $0x3;
	s0 =	smul.u32 @!p0 $0xCB400, s0  }
0x38: {  	s5 =	smov.u32 s11;
	s2 =	sshll.u32 @!p0 s13, $0x7;
	s1 =	sand.u32 @!p0 $0xFFFFFC00, s1  }
0x39: {  	s3 =	sand.u32 @!p0 $0x7F, s11;
	s0 =	sadd.s32 @!p0 s0, s1;
	s1 =	sand.u32 @!p0 $0x380, s2  }
0x3a: {  	p1 =	sgt.s32 @!p0 s13, $0x120;
	s4 =	sshra.s32 @!p0 s13, $0x1F;
	s0 =	sor.u32 @!p0 s1, s0  }
0x3b: {  	s6 =	sshra.s32 @!p0 s11, $0x1F;
	p1 =	por !p1, p0;
	s1 =	smulhi.u32 @!p0 $0xA1385D35, s0  }
0x3c: {  	s4 =	sand.u32 @!p0 s4, s13;
	s0 =	sor.u32 @!p0 s3, s0;
	s3 =	smov.u32 s13  }
0x3d: {  	s3 =	simm.s32 @p1 $0x120;
	p1 =	sgt.s32 @!p0 s11, $0x19600;
	s1 =	sshrl.u32 @!p0 s1, $0x10  }
0x3e: {  	p1 =	por !p1, p0;
	s3 =	ssub.s32 @!p0 s3, s4;
	s2 =	smul.u32 @!p0 $0x4EC5, s1  }
0x3f: {  	s4 =	sand.u32 @!p0 s6, s11;
	s6 =	smulhi.u32 @!p0 $0xA1385D35, s0;
	s5 =	simm.s32 @p1 $0x19600  }
0x40: {  	s4 =	ssub.s32 @!p0 s5, s4;
	s5 =	sadd.s32 @!p0 $0xFFFFFEE0, s3;
	s2 =	sshrl.u32 @!p0 s2, $0x17  }
0x41: {  	p1 =	sgt.s32 @!p0 s5, $0x7F;
	s5 =	sshrl.u32 @!p0 s6, $0x10;
	s2 =	smul.u32 @!p0 $0x1A0, s2  }
0x42: {  	s3 =	ssub.s32 @!p0 $0x1A0, s3;
	s5 =	smul.u32 @!p0 $0x19680, s5  }
0x43: {  	p1 =	por !p1, p0;
	s1 =	ssub.s32 @!p0 s1, s2;
	s2 =	sadd.s32 @!p0 $0xFFFE6A00, s4  }
0x44: {  	s3 =	simm.s32 @!p1 $0x0;
	s4 =	ssub.s32 @!p0 $0x19680, s4;
	p2 =	sgt.s32 @!p0 s2, $0x7F  }
0x45: {  	s0 =	ssub.s32 @!p0 s0, s5;
	s1 =	sand.u32 @!p0 $0xFFFF, s1;
	p2 =	por !p2, p0  }
0x46: {  	s2 =	sxor.u32 @!p0 $0xFFFFFFFF, s14;
	s1 =	smul.u32 @!p0 $0x32D0, s1;
	s4 =	simm.s32 @!p2 $0x0  }
0x47: {  	s5 =	rddreg [dreg:$0x0];
	s2 =	sshll.u32 @!p0 s2, $0xE;
	s3 =	smul.u32 @!p0 s3, s4  }
0x48: {  	s2 =	sand.u32 @!p0 $0x4000, s2;
	s4 =	sshrl.u32 @!p0 s0, $0x3;
	s0 =	sand.u32 @!p0 $0x7, s0  }
0x49: {  	s4 =	sadd.s32 @!p0 s5, s4;
	s0 =	sshll.u32 @!p0 s0, $0x12;
	s3 =	sand.u32 @!p0 $0x3FFFFFFF, s3  }
0x4a: {  	s1 =	sadd.s32 @!p0 s1, s4;
	s0 =	sor.u32 @!p0 $0x400, s0;
	s4 =	simm.s32 @!p0 $0xCB400  }
0x4b: {  	[tilespmem:s2], [sflag:$0x1] =	stream.strided.gather @!p0 [hbm4b:s1+s0], s3, s4, s0, $0x38;
	[tilespmem:$0x10100] =	vst v63  }
0x4c: {  	p0 =	seq.s32 s14, $0x0  }
0x4d: {  	p1 =	sge.u32 @!p0 s14, s7  }
0x4e: {  	p0 =	por p0, p1  }
.Ltmp2:
0x4f: {  	_ = 	snop;
	(pc) =	sbr.rel @p0 .LBB1_13-.Ltmp2, $1  }
0x50: {  	_ =	sdelay $0x3  }
0x51: {  	s0 =	ssub.s32 $0x0, s12;
	s1 =	sshra.s32 s12, $0x1F;
	p0 =	sgt.s32 s12, $0x120  }
0x52: {  	s2 =	smov.u32 s12;
	s25 =	ssub.s32 $0x0, s8;
	s26 =	sshra.s32 s8, $0x1F  }
0x53: {  	s3 =	smov.u32 s8;
	s2 =	simm.s32 @!p0 $0x120;
	p0 =	sgt.s32 s8, $0x19600  }
0x54: {  	s4 =	sand.u32 s0, s1;
	s1 =	sand.u32 s25, s26;
	s3 =	simm.s32 @!p0 $0x19600  }
0x55: {  	s2 =	sadd.s32 s4, s2;
	[dreg:$0xc] =	wrdreg s1;
	s1 =	sadd.s32 s1, s3  }
0x56: {  	s27 =	sadd.s32 $0xFFFFFEE0, s2;
	s2 =	ssub.s32 $0x1A0, s2;
	s28 =	sadd.s32 $0xFFFE6A00, s1  }
0x57: {  	p0 =	sgt.s32 s27, $0x7F;
	s0 =	ssub.s32 $0x19680, s1;
	p1 =	sgt.s32 s28, $0x7F  }
0x58: {  	s2 =	simm.s32 @p0 $0x0;
	s0 =	simm.s32 @p1 $0x0  }
0x59: {  	s29 =	smul.u32 s2, s0;
	s2 =	sadd.s32 $0x80, s12  }
0x5a: {  	p0 =	slt.s32 s2, $0x1A0  }
0x5b: {  	s2 =	simm.s32 @!p0 $0x1A0  }
0x5c: {  	[dreg:$0xa] =	wrdreg s10;
	s20 =	ssub.s32 s2, s12  }
0x5d: {  	[dreg:$0x9] =	wrdreg s9;
	p0 =	slt.s32 s20, $0x1  }
.Ltmp3:
0x5e: {  	[dreg:$0x8] =	wrdreg s8;
	s30 =	simm.s32 $0x1;
	(pc) =	sbr.rel @p0 .LBB1_12-.Ltmp3, $4  }
0x5f: {  	[dreg:$0xb] =	wrdreg s4;
	s0 =	sand.u32 $0x1, s14;
	s1 =	sand.u32 $0x3FFFFFFF, s29  }
0x60: {  	s31 =	smul.u32 $0x4080, s0;
	_ =	swait.ge [sflag:s30], s1  }
0x61: {  	s1 =	ssub.s32 $0x0, s1;
	[sflag:s30] =	ssyncset.done $0x0  }
0x62: {  	s18 =	sor.u32 $0x8000, s31;
	[sflag:s30] =	ssyncadd.s32 s1  }
0x63: {  	s2 =	rddreg [dreg:$0x8]  }
0x64: {  	s1 =	sadd.s32 $0x80, s2  }
0x65: {  	p0 =	slt.s32 s1, $0x19641  }
.Ltmp4:
0x66: {  	s1 =	simm.s32 @!p0 $0x19641;
	(pc) =	sbr.rel .LBB1_4-.Ltmp4, $4  }
0x67: {  	s23 =	sshll.u32 s0, $0xE;
	s1 =	ssub.s32 s1, s2  }
0x68: {  	s25 =	simm.s32 $0x0;
	s26 =	simm.s32 $0x400;
	s1 =	sadd.s32 $0xF, s1  }
0x69: {  	s21 =	sand.u32 $0xFFFFFFF0, s1;
	s22 =	sand.u32 $0xFFFFFF00, s1;
	s31 =	sshll.u32 s1, $0x3  }
0x6a: {  	p0 =	slt.s32 s1, $0x100;
	s24 =	sand.u32 $0xFFFFF800, s31;
	p1 =	sge.s32 s22, s21  }
.LBB1_11:
0x6b: {  	s25 =	sadd.s32 $0x1, s25  }
0x6c: {  	p2 =	sne.s32 s25, s20  }
.Ltmp5:
0x6d: {  	_ = 	snop;
	(pc) =	sbr.rel @!p2 .LBB1_12-.Ltmp5, $2  }
0x6e: {  	_ =	sdelay $0x2  }
0x6f: {  	s26 =	sadd.s32 $0x80, s26  }
.LBB1_4:
.Ltmp6:
0x70: {  	(pc) =	sbr.rel @p0 .LBB1_8-.Ltmp6, $2  }
0x71: {  	_ =	sdelay $0x2  }
0x72: {  	s27 =	sshll.u32 s25, $0x7;
	s28 =	sand.u32 $0x7F, s25  }
0x73: {  	s2 =	sshll.u32 s25, $0x3  }
0x74: {  	s5 =	sand.u32 $0x380, s27;
	s4 =	sshrl.u32 s2, $0x7  }
0x75: {  	s1 =	sadd.s32 $0x800, s2;
	s6 =	sadd.s32 $0x1000, s2;
	s19 =	sadd.s32 s5, s23  }
0x76: {  	s7 =	sadd.s32 $0x1800, s2;
	s10 =	sadd.s32 $0x2800, s2;
	s17 =	sadd.s32 $0x3000, s2  }
0x77: {  	s2 =	sadd.s32 $0x3800, s2;
	s0 =	sand.u32 $0x78, s4;
	s1 =	sshrl.u32 s1, $0x7  }
0x78: {  	s6 =	sshrl.u32 s6, $0x7;
	s15 =	sshrl.u32 s10, $0x7;
	s2 =	sshrl.u32 s2, $0x7  }
0x79: {  	v0 =	vmov s19;
	s19 =	sand.u32 $0x3C00, s26;
	s3 =	smul.u32 $0x204, s0;
	s1 =	sand.u32 $0x78, s1  }
0x7a: {  	s5 =	sand.u32 $0x78, s6;
	s6 =	sshrl.u32 s7, $0x7;
	s1 =	smul.u32 $0x204, s1  }
0x7b: {  	s0 =	sxor.u32 $0x40, s0;
	s7 =	sshrl.u32 s17, $0x7;
	s5 =	smul.u32 $0x204, s5  }
0x7c: {  	s2 =	sand.u32 $0x78, s2;
	s0 =	smul.u32 $0x204, s0;
	s3 =	sshrl.u32 s3, $0x2  }
0x7d: {  	s8 =	sand.u32 $0x78, s6;
	s10 =	smul.u32 $0x204, s2;
	s3 =	sadd.s32 s3, s18  }
0x7e: {  	s1 =	sshrl.u32 s1, $0x2;
	s9 =	sshrl.u32 s5, $0x2;
	s0 =	sshrl.u32 s0, $0x2  }
0x7f: {  	s5 =	sand.u32 $0x78, s7;
	s7 =	sadd.s32 $0x20, s4;
	s6 =	sshrl.u32 s10, $0x2  }
0x80: {  	s1 =	sadd.s32 s1, s18;
	s29 =	sadd.s32 s28, s3;
	s3 =	sadd.s32 s9, s18  }
0x81: {  	s16 =	sadd.s32 s0, s18;
	s5 =	smul.u32 $0x204, s5;
	s30 =	sadd.s32 s28, s1  }
0x82: {  	s1 =	smul.u32 $0x204, s8;
	s31 =	sadd.s32 s28, s3;
	s3 =	sand.u32 $0x78, s15  }
0x83: {  	s7 =	sand.u32 $0x78, s7;
	s8 =	sadd.s32 $0x10, s4;
	s3 =	smul.u32 $0x204, s3  }
0x84: {  	s5 =	sshrl.u32 s5, $0x2;
	s15 =	sand.u32 $0x78, s8;
	s8 =	sadd.s32 $0x30, s4  }
0x85: {  	s1 =	sshrl.u32 s1, $0x2;
	s17 =	smul.u32 $0x204, s15;
	s15 =	sadd.s32 $0x60, s4  }
0x86: {  	s1 =	sadd.s32 s1, s18;
	s3 =	sshrl.u32 s3, $0x2;
	s15 =	sand.u32 $0x78, s15  }
0x87: {  	s0 =	sadd.s32 s28, s1;
	s1 =	sadd.s32 s28, s16;
	s3 =	sadd.s32 s3, s18  }
0x88: {  	s16 =	sadd.s32 s5, s18;
	s5 =	sshrl.u32 s17, $0x2;
	s15 =	smul.u32 $0x204, s15  }
0x89: {  	s9 =	sadd.s32 s28, s3;
	s2 =	sadd.s32 s28, s16;
	s3 =	sadd.s32 s6, s18  }
0x8a: {  	s6 =	smul.u32 $0x204, s7;
	s7 =	sand.u32 $0x78, s8;
	s8 =	sadd.s32 $0x50, s4  }
0x8b: {  	s4 =	sadd.s32 $0x70, s4;
	s7 =	smul.u32 $0x204, s7;
	s8 =	sand.u32 $0x78, s8  }
0x8c: {  	s5 =	sadd.s32 s5, s18;
	s4 =	sand.u32 $0x78, s4;
	s8 =	smul.u32 $0x204, s8  }
0x8d: {  	v1 =	vld.idx.msk [tilespmem:v0+s19+$0x0 ss:$0x1], $0xffff;
	s15 =	sshrl.u32 s15, $0x2;
	s6 =	sshrl.u32 s6, $0x2;
	s4 =	smul.u32 $0x204, s4  }
0x8e: {  	s15 =	sadd.s32 s15, s18;
	s7 =	sshrl.u32 s7, $0x2;
	s6 =	sadd.s32 s6, s18  }
0x8f: {  	s16 =	sadd.s32 s7, s18;
	s7 =	sadd.s32 s28, s5;
	s5 =	sadd.s32 s28, s6  }
0x90: {  	s8 =	sshrl.u32 s8, $0x2;
	s4 =	sshrl.u32 s4, $0x2;
	s6 =	sadd.s32 s28, s16  }
0x91: {  	s8 =	sadd.s32 s8, s18;
	s10 =	sadd.s32 s4, s18;
	s16 =	sadd.s32 $0xFFFFFC00, s26  }
0x92: {  	[tilespmem:s29+$0x0 ss:$0x81] =	vst.msk $0xffff, v1;
	v1 =	vld.idx.msk [tilespmem:v0+s19+$0x20 ss:$0x1], $0xffff;
	s4 =	sadd.s32 s28, s8;
	s8 =	sadd.s32 s28, s15;
	s15 =	sand.u32 $0x3C00, s16  }
0x93: {  	v2 =	vld.idx.msk [tilespmem:v0+s15+$0x70 ss:$0x1], $0xffff  }
0x94: {  	v3 =	vld.idx.msk [tilespmem:v0+s15+$0x0 ss:$0x1], $0xffff  }
0x95: {  	v4 =	vld.idx.msk [tilespmem:v0+s15+$0x10 ss:$0x1], $0xffff  }
0x96: {  	v5 =	vld.idx.msk [tilespmem:v0+s15+$0x20 ss:$0x1], $0xffff  }
0x97: {  	s3 =	sadd.s32 s28, s3;
	v6 =	vld.idx.msk [tilespmem:v0+s15+$0x30 ss:$0x1], $0xffff  }
0x98: {  	v7 =	vld.idx.msk [tilespmem:v0+s15+$0x40 ss:$0x1], $0xffff;
	[tilespmem:s3+$0x0 ss:$0x81] =	vst.msk $0xffff, v2  }
0x99: {  	v8 =	vld.idx.msk [tilespmem:v0+s15+$0x50 ss:$0x1], $0xffff;
	[tilespmem:s29+$0x0 ss:$0x81] =	vst.msk $0xffff, v3  }
0x9a: {  	p2 =	sgt.s32 s22, $0x100;
	v9 =	vld.idx.msk [tilespmem:v0+s15+$0x60 ss:$0x1], $0xffff;
	[tilespmem:s30+$0x0 ss:$0x81] =	vst.msk $0xffff, v4  }
.Ltmp7:
0x9b: {  	v4 =	vld.idx.msk [tilespmem:v0+s19+$0x10 ss:$0x1], $0xffff;
	[tilespmem:s31+$0x0 ss:$0x81] =	vst.msk $0xffff, v5;
	(pc) =	sbr.rel @!p2 .LBB1_7-.Ltmp7, $4  }
0x9c: {  	[tilespmem:s0+$0x0 ss:$0x81] =	vst.msk $0xffff, v6;
	v2 =	vld.idx.msk [tilespmem:v0+s19+$0x30 ss:$0x1], $0xffff  }
0x9d: {  	[tilespmem:s1+$0x0 ss:$0x81] =	vst.msk $0xffff, v7;
	v3 =	vld.idx.msk [tilespmem:v0+s19+$0x40 ss:$0x1], $0xffff  }
0x9e: {  	[tilespmem:s9+$0x0 ss:$0x81] =	vst.msk $0xffff, v8;
	v5 =	vld.idx.msk [tilespmem:v0+s19+$0x50 ss:$0x1], $0xffff  }
0x9f: {  	s17 =	sadd.s32 s28, s10;
	s16 =	sadd.s32 $0x800, s26;
	s15 =	simm.s32 $0x100;
	[tilespmem:s2+$0x0 ss:$0x81] =	vst.msk $0xffff, v9;
	v6 =	vld.idx.msk [tilespmem:v0+s19+$0x60 ss:$0x1], $0xffff  }
.LBB1_6:
0xa0: {  	s10 =	sadd.s32 $0xFFFFFC00, s16;
	s15 =	sadd.s32 $0x100, s15;
	[tilespmem:s7+$0x0 ss:$0x81] =	vst.msk $0xffff, v4;
	v4 =	vld.idx.msk [tilespmem:v0+s19+$0x70 ss:$0x1], $0xffff;
	s19 =	sand.u32 $0x3C00, s16  }
0xa1: {  	s10 =	sand.u32 $0x3C00, s10;
	v7 =	vld.idx.msk [tilespmem:v0+s19+$0x0 ss:$0x1], $0xffff;
	p2 =	slt.s32 s15, s22;
	[tilespmem:s5+$0x0 ss:$0x81] =	vst.msk $0xffff, v1  }
0xa2: {  	v1 =	vld.idx.msk [tilespmem:v0+s10+$0x70 ss:$0x1], $0xffff;
	[tilespmem:s6+$0x0 ss:$0x81] =	vst.msk $0xffff, v2  }
0xa3: {  	v2 =	vld.idx.msk [tilespmem:v0+s10+$0x0 ss:$0x1], $0xffff;
	[tilespmem:s1+$0x0 ss:$0x81] =	vst.msk $0xffff, v3  }
0xa4: {  	v3 =	vld.idx.msk [tilespmem:v0+s10+$0x10 ss:$0x1], $0xffff;
	[tilespmem:s4+$0x0 ss:$0x81] =	vst.msk $0xffff, v5  }
0xa5: {  	v5 =	vld.idx.msk [tilespmem:v0+s10+$0x20 ss:$0x1], $0xffff;
	[tilespmem:s8+$0x0 ss:$0x81] =	vst.msk $0xffff, v6  }
0xa6: {  	v6 =	vld.idx.msk [tilespmem:v0+s10+$0x30 ss:$0x1], $0xffff;
	[tilespmem:s17+$0x0 ss:$0x81] =	vst.msk $0xffff, v4  }
0xa7: {  	v8 =	vld.idx.msk [tilespmem:v0+s10+$0x40 ss:$0x1], $0xffff;
	[tilespmem:s29+$0x0 ss:$0x81] =	vst.msk $0xffff, v7  }
0xa8: {  	v7 =	vld.idx.msk [tilespmem:v0+s10+$0x50 ss:$0x1], $0xffff;
	[tilespmem:s3+$0x0 ss:$0x81] =	vst.msk $0xffff, v1  }
0xa9: {  	[tilespmem:s29+$0x0 ss:$0x81] =	vst.msk $0xffff, v2;
	v9 =	vld.idx.msk [tilespmem:v0+s10+$0x60 ss:$0x1], $0xffff  }
0xaa: {  	[tilespmem:s30+$0x0 ss:$0x81] =	vst.msk $0xffff, v3;
	v4 =	vld.idx.msk [tilespmem:v0+s19+$0x10 ss:$0x1], $0xffff  }
.Ltmp8:
0xab: {  	[tilespmem:s31+$0x0 ss:$0x81] =	vst.msk $0xffff, v5;
	v1 =	vld.idx.msk [tilespmem:v0+s19+$0x20 ss:$0x1], $0xffff;
	(pc) =	sbr.rel @p2 .LBB1_6-.Ltmp8, $4  }
0xac: {  	[tilespmem:s0+$0x0 ss:$0x81] =	vst.msk $0xffff, v6;
	v2 =	vld.idx.msk [tilespmem:v0+s19+$0x30 ss:$0x1], $0xffff  }
0xad: {  	[tilespmem:s1+$0x0 ss:$0x81] =	vst.msk $0xffff, v8;
	v3 =	vld.idx.msk [tilespmem:v0+s19+$0x40 ss:$0x1], $0xffff  }
0xae: {  	[tilespmem:s9+$0x0 ss:$0x81] =	vst.msk $0xffff, v7;
	v5 =	vld.idx.msk [tilespmem:v0+s19+$0x50 ss:$0x1], $0xffff  }
0xaf: {  	s16 =	sadd.s32 $0x800, s16;
	[tilespmem:s2+$0x0 ss:$0x81] =	vst.msk $0xffff, v9;
	v6 =	vld.idx.msk [tilespmem:v0+s19+$0x60 ss:$0x1], $0xffff  }
.LBB1_7:
0xb0: {  	_ =	sdelay $0x2  }
0xb1: {  	[tilespmem:s7+$0x0 ss:$0x81] =	vst.msk $0xffff, v4  }
0xb2: {  	v0 =	vld.idx.msk [tilespmem:v0+s19+$0x70 ss:$0x1], $0xffff;
	[tilespmem:s5+$0x0 ss:$0x81] =	vst.msk $0xffff, v1  }
0xb3: {  	[tilespmem:s6+$0x0 ss:$0x81] =	vst.msk $0xffff, v2  }
0xb4: {  	[tilespmem:s1+$0x0 ss:$0x81] =	vst.msk $0xffff, v3  }
0xb5: {  	[tilespmem:s4+$0x0 ss:$0x81] =	vst.msk $0xffff, v5  }
0xb6: {  	[tilespmem:s8+$0x0 ss:$0x81] =	vst.msk $0xffff, v6  }
0xb7: {  	[tilespmem:s17+$0x0 ss:$0x81] =	vst.msk $0xffff, v0  }
.LBB1_8:
.Ltmp9:
0xb8: {  	(pc) =	sbr.rel @p1 .LBB1_11-.Ltmp9, $1  }
0xb9: {  	_ =	sdelay $0x3  }
0xba: {  	s1 =	sand.u32 $0x380, s27;
	s0 =	sshrl.u32 s25, $0x4;
	s2 =	sadd.s32 s28, s18  }
0xbb: {  	s3 =	smov.u32 s24;
	s4 =	smov.u32 s22;
	s1 =	sadd.s32 s1, s23  }
.LBB1_10:
0xbc: {  	s5 =	sand.u32 $0x3C00, s3  }
0xbd: {  	s5 =	sadd.s32 s27, s5  }
0xbe: {  	s5 =	sand.u32 $0x3C00, s5  }
0xbf: {  	s6 =	sand.u32 $0x70, s4;
	s30 =	sadd.s32 s4, s0;
	s5 =	sadd.s32 s5, s1  }
0xc0: {  	s4 =	sadd.s32 $0x10, s4;
	s31 =	sand.u32 $0x78, s30;
	s5 =	sadd.s32 s6, s5  }
0xc1: {  	p2 =	slt.s32 s4, s21;
	v0 =	vld [tilespmem:s5+$0x0];
	s5 =	smul.u32 $0x204, s31  }
.Ltmp10:
0xc2: {  	_ = 	snop;
	(pc) =	sbr.rel @p2 .LBB1_10-.Ltmp10, $4  }
0xc3: {  	_ = 	snop  }
0xc4: {  	s5 =	sshrl.u32 s5, $0x2  }
0xc5: {  	s5 =	sadd.s32 s5, s2  }
0xc6: {  	s3 =	sadd.s32 $0x80, s3;
	[tilespmem:s5+$0x0 ss:$0x81] =	vst.msk $0xffff, v0  }
.Ltmp11:
0xc7: {  	_ = 	snop;
	(pc) =	sbr.rel .LBB1_11-.Ltmp11, $1  }
0xc8: {  	_ =	sdelay $0x3  }
.LBB1_14:
0xc9: {  	_ =	sfence.sel $0x180000  }
0xca: {  	s0 =	simm.s32 $0x1;
	[bflag:$0x0] =	sbarrier.arrive $0xFFFF  }
0xcb: {  	s30 =	simm.s32 $0x2;
	[sflag:s0] =	ssyncpa.u1 $0x1  }
0xcc: {  	[sflag:s30] =	ssyncpa.u1 $0x1  }
0xcd: {  	_ =	strace $0x90000047  }
0xce: {  	s31 =	stileid.u32;
	[bflag:$0x2] =	sbarrier.arrive $0xFFFF  }
0xcf: {  	p0 =	sne.s32 s31, $0x0;
	s0 =	rddreg [dreg:$0x2]  }
0xd0: {  	s0 =	sadd.s32 @!p0 $0x100000, s0  }
0xd1: {  	[sflag:s0] =	ssyncadd.tile.s32 @!p0 $0x1;
	_ =	shalt  }
.Lfunc_end1:
_tile_overlayer_lowered:
.L_overlay_start_2:
0xd2: {  	(tag) =	ssettag $0x2  }
0xd3: {  	s0 =	rddreg [dreg:$0x0];
	s2 =	stileid.u32  }
0xd4: {  	s1 =	rddreg [dreg:$0x1];
	p0 =	sne.s32 s2, $0x0  }
0xd5: {  	s3 =	rddreg [dreg:$0x2];
	[bflag:$0x3] =	sbarrier.arrive $0xFFFF;
	s2 =	simm.s32 @!p0 $0x1C01  }
0xd6: {  	[timem:s3], [sflag:s2] =	dma.local @!p0 [hbm:s0], s1  }
0xd7: {  	s0 =	simm.s32 @!p0 $0x1  }
0xd8: {  	_ =	swait.ge @!p0 [sflag:s0], s1  }
0xd9: {  	s1 =	ssub.s32 @!p0 $0x0, s1;
	[sflag:s0] =	ssyncset.done @!p0 $0x0  }
0xda: {  	[sflag:s0] =	ssyncadd.s32 @!p0 s1  }
0xdb: {  	[bflag:$0x3] =	sbarrier.arrive $0xFFFF  }
0xdc: {  	_ =	shalt  }

</sc_bundles>
